<compile_context>
chip_gen: v7x
topology: tpu7x:2x2x1
jax: 0.10.2.dev20260603
libtpu: 0.0.44.dev20260713+nightly
codegen_flags: <defaults>
</compile_context>

<pallas_src>
import functools

import jax
import jax.numpy as jnp
from jax import lax
from jax.experimental import pallas as pl
from jax.experimental.pallas import tpu as pltpu
from jax.experimental.pallas import tpu_sc as plsc

B, T, D = 32, 512, 768
KW = 8
HEADS, DH = 12, 64
FF = 3072
TD = 512
VOCAB = 49408
NKW = B * KW



def _attn_body(len_ref, af_ref, cls_ref, wq_ref, wk_ref, wv_ref, out_ref,
               q_s, kc_s, vc_s):
    b = pl.program_id(0)

    @pl.when(b == 0)
    def _():
        cls = cls_ref[...]
        q_s[...] = jnp.dot(cls, wq_ref[...], preferred_element_type=jnp.float32)
        kc_s[...] = jnp.dot(cls, wk_ref[...], preferred_element_type=jnp.float32)
        vc_s[...] = jnp.dot(cls, wv_ref[...], preferred_element_type=jnp.float32)

    audio = af_ref[0]
    ka = jnp.dot(audio, wk_ref[...], preferred_element_type=jnp.float32)
    va = jnp.dot(audio, wv_ref[...], preferred_element_type=jnp.float32)
    kf = jnp.concatenate([kc_s[...], ka], axis=0)
    vf = jnp.concatenate([vc_s[...], va], axis=0)

    alen = len_ref[b]
    col = lax.broadcasted_iota(jnp.int32, (1, KW + T), 1)
    pad = col >= alen + KW

    scale = jnp.float32(1.0 / 8.0)
    neg = jnp.float32(-1e9)

    for h in range(HEADS):
        sl = slice(h * DH, (h + 1) * DH)
        q_h = q_s[:, sl] * scale
        s = lax.dot_general(q_h, kf[:, sl],
                            (((1,), (1,)), ((), ())),
                            preferred_element_type=jnp.float32)
        s = jnp.where(pad, neg, s)
        m = jnp.max(s, axis=1, keepdims=True)
        e = jnp.exp(s - m)
        l = jnp.sum(e, axis=1, keepdims=True)
        out_ref[0, :, sl] = jnp.dot(e / l, vf[:, sl],
                                    preferred_element_type=jnp.float32)


def _attention(audio_feat, cls2, wq, wk, wv, audio_len):
    return pl.pallas_call(
        _attn_body,
        grid=(B,),
        in_specs=[
            pl.BlockSpec(memory_space=pltpu.SMEM),
            pl.BlockSpec((1, T, D), lambda b: (b, 0, 0)),
            pl.BlockSpec((KW, D), lambda b: (0, 0)),
            pl.BlockSpec((D, D), lambda b: (0, 0)),
            pl.BlockSpec((D, D), lambda b: (0, 0)),
            pl.BlockSpec((D, D), lambda b: (0, 0)),
        ],
        out_specs=pl.BlockSpec((1, KW, D), lambda b: (b, 0, 0)),
        out_shape=jax.ShapeDtypeStruct((B, KW, D), jnp.float32),
        scratch_shapes=[
            pltpu.VMEM((KW, D), jnp.float32),
            pltpu.VMEM((KW, D), jnp.float32),
            pltpu.VMEM((KW, D), jnp.float32),
        ],
    )(audio_len, audio_feat, cls2, wq, wk, wv)




def _ln(x, g, b):
    mu = jnp.mean(x, axis=-1, keepdims=True)
    var = jnp.mean(jnp.square(x - mu), axis=-1, keepdims=True)
    return (x - mu) / jnp.sqrt(var + 1e-5) * g + b


def _head_body(ctx_ref, res_ref, wo_ref, l1g_ref, l1b_ref, w1_ref, b1_ref,
               w2_ref, b2_ref, l2g_ref, l2b_ref, pw_ref, pb_ref, bs_ref,
               bb_ref, out_ref):
    x = res_ref[...] + jnp.dot(ctx_ref[...], wo_ref[...],
                               preferred_element_type=jnp.float32)
    x = _ln(x, l1g_ref[...], l1b_ref[...])
    h = jnp.maximum(
        jnp.dot(x, w1_ref[...], preferred_element_type=jnp.float32)
        + b1_ref[...], 0.0)
    y = jnp.dot(h, w2_ref[...], preferred_element_type=jnp.float32) + b2_ref[...]
    x = _ln(x + y, l2g_ref[...], l2b_ref[...])
    kw = jnp.dot(x, pw_ref[...], preferred_element_type=jnp.float32) + pb_ref[...]
    kw = kw * bs_ref[...] + bb_ref[...]
    nrm = jnp.sqrt(jnp.sum(jnp.square(kw), axis=1, keepdims=True))
    out_ref[...] = kw / (nrm + 1e-8)


def _head(ctx2, res, wo, l1g, l1b, w1, b1, w2, b2, l2g, l2b, pw, pb, bs, bb):
    vec = lambda v: v.reshape(1, -1)
    return pl.pallas_call(
        _head_body,
        out_shape=jax.ShapeDtypeStruct((NKW, TD), jnp.float32),
    )(ctx2, res, wo, vec(l1g), vec(l1b), w1, vec(b1), w2, vec(b2),
      vec(l2g), vec(l2b), pw, vec(pb), vec(bs), vec(bb))



VTILE = 2048
VGRID = (VOCAB + VTILE - 1) // VTILE


def _argmax_body(kw_ref, emb_ref, idx_ref, best_v, best_i):
    v = pl.program_id(0)
    emb = emb_ref[...]
    nrm = jnp.sqrt(jnp.sum(jnp.square(emb), axis=1, keepdims=True))
    emb_n = emb / (nrm + 1e-8)
    raw = lax.dot_general(kw_ref[...], emb_n, (((1,), (1,)), ((), ())),
                          preferred_element_type=jnp.float32)
    gcol = v * VTILE + lax.broadcasted_iota(jnp.int32, (1, VTILE), 1)
    cos = jnp.where(gcol < VOCAB, raw, jnp.float32(-3e38))
    tmax = jnp.max(cos, axis=1, keepdims=True)
    targ = jnp.min(jnp.where(cos == tmax, gcol, jnp.int32(2**31 - 1)),
                   axis=1, keepdims=True)

    @pl.when(v == 0)
    def _():
        best_v[...] = tmax
        best_i[...] = targ

    @pl.when(v > 0)
    def _():
        upd = tmax > best_v[...]
        best_v[...] = jnp.where(upd, tmax, best_v[...])
        best_i[...] = jnp.where(upd, targ, best_i[...])

    @pl.when(v == VGRID - 1)
    def _():
        idx_ref[...] = best_i[...]


def _vq_argmax(kw, emb):
    return pl.pallas_call(
        _argmax_body,
        grid=(VGRID,),
        in_specs=[
            pl.BlockSpec((NKW, TD), lambda v: (0, 0)),
            pl.BlockSpec((VTILE, TD), lambda v: (v, 0)),
        ],
        out_specs=pl.BlockSpec((NKW, 1), lambda v: (0, 0)),
        out_shape=jax.ShapeDtypeStruct((NKW, 1), jnp.int32),
        scratch_shapes=[
            pltpu.VMEM((NKW, 1), jnp.float32),
            pltpu.VMEM((NKW, 1), jnp.int32),
        ],
    )(kw, emb)



_NC, _NS = 2, 16
_NW = _NC * _NS
_BPW = NKW // _NW


def _sc_gather_body(emb_hbm, idx_hbm, out_hbm, idx_v, rows_v, sem):
    wid = lax.axis_index("s") * _NC + lax.axis_index("c")
    base = wid * _BPW
    pltpu.sync_copy(idx_hbm.at[pl.ds(base, _BPW)], idx_v)
    pltpu.async_copy(emb_hbm.at[idx_v], rows_v, sem).wait()
    pltpu.sync_copy(rows_v, out_hbm.at[pl.ds(base, _BPW)])


@functools.cache
def _sc_gather():
    return pl.kernel(
        _sc_gather_body,
        out_type=jax.ShapeDtypeStruct((NKW, TD), jnp.float32),
        mesh=plsc.VectorSubcoreMesh(core_axis_name="c", subcore_axis_name="s",
                                    num_cores=_NC, num_subcores=_NS),
        scratch_types=[
            pltpu.VMEM((_BPW,), jnp.int32),
            pltpu.VMEM((_BPW, TD), jnp.float32),
            pltpu.SemaphoreType.DMA,
        ],
    )




def kernel(audio_feat, cls_tok, Wq, Wk, Wv, Wo, W1, b1, W2, b2, ln1_g, ln1_b,
           ln2_g, ln2_b, proj_W, proj_b, bn_scale, bn_bias, token_emb,
           audio_len):
    cls2 = cls_tok.reshape(KW, D)
    ctx = _attention(audio_feat, cls2, Wq, Wk, Wv, audio_len)
    res = jnp.tile(cls2, (B, 1))
    kw = _head(ctx.reshape(NKW, D), res, Wo, ln1_g, ln1_b, W1, b1, W2, b2,
               ln2_g, ln2_b, proj_W, proj_b, bn_scale, bn_bias)
    idx = _vq_argmax(kw, token_emb).reshape(NKW)
    out = _sc_gather()(token_emb, idx)
    return out.reshape(B, KW, TD)

# --- scband reference (transcript-rebuilt; emitter-appended) ---
"""Pipeline reference for scband-kw-cascaded-branch-24936580120847 (READ-ONLY COPY).

The authoritative reference and input builder live on the scoring server;
editing this copy changes nothing except your own understanding.
"""

import jax, jax.numpy as jnp
import numpy as np

B, T, D_MODEL = 32, 512, 768
KW_NUM = 8
TEXT_DIM = 512
VOCAB = 49408
N_HEADS = 12
D_FF = 3072
D_HEAD = D_MODEL // N_HEADS
TAU = 1.0


def setup_inputs(seed=0) -> dict:
    key = jax.random.key(seed)
    ks = jax.random.split(key, 16)
    s = 0.02
    return {
        'audio_feat': jax.random.normal(ks[0], (B, T, D_MODEL), dtype=jnp.float32),
        'cls_tok': s * jax.random.normal(ks[1], (1, KW_NUM, D_MODEL), dtype=jnp.float32),
        'Wq': s * jax.random.normal(ks[2], (D_MODEL, D_MODEL), dtype=jnp.float32),
        'Wk': s * jax.random.normal(ks[3], (D_MODEL, D_MODEL), dtype=jnp.float32),
        'Wv': s * jax.random.normal(ks[4], (D_MODEL, D_MODEL), dtype=jnp.float32),
        'Wo': s * jax.random.normal(ks[5], (D_MODEL, D_MODEL), dtype=jnp.float32),
        'W1': s * jax.random.normal(ks[6], (D_MODEL, D_FF), dtype=jnp.float32),
        'b1': jnp.zeros((D_FF,), jnp.float32),
        'W2': s * jax.random.normal(ks[7], (D_FF, D_MODEL), dtype=jnp.float32),
        'b2': jnp.zeros((D_MODEL,), jnp.float32),
        'ln1_g': jnp.ones((D_MODEL,), jnp.float32),
        'ln1_b': jnp.zeros((D_MODEL,), jnp.float32),
        'ln2_g': jnp.ones((D_MODEL,), jnp.float32),
        'ln2_b': jnp.zeros((D_MODEL,), jnp.float32),
        'proj_W': s * jax.random.normal(ks[8], (D_MODEL, TEXT_DIM), dtype=jnp.float32),
        'proj_b': jnp.zeros((TEXT_DIM,), jnp.float32),
        'bn_scale': jnp.ones((TEXT_DIM,), jnp.float32),
        'bn_bias': jnp.zeros((TEXT_DIM,), jnp.float32),
        'token_emb': s * jax.random.normal(ks[9], (VOCAB, TEXT_DIM), dtype=jnp.float32),
        'audio_len': jax.random.randint(ks[10], (B,), 1, T + 1, dtype=jnp.int32),
    }


def _layer_norm(x, g, b):
    mu = jnp.mean(x, axis=-1, keepdims=True)
    var = jnp.var(x, axis=-1, keepdims=True)
    return (x - mu) / jnp.sqrt(var + 1e-5) * g + b


def _forward(audio_feat, cls_tok, Wq, Wk, Wv, Wo, W1, b1, W2, b2,
             ln1_g, ln1_b, ln2_g, ln2_b, proj_W, proj_b, bn_scale, bn_bias,
             token_emb, audio_len):
    bsz = audio_feat.shape[0]
    total_len = audio_feat.shape[1] + KW_NUM
    # prepend learnable CLS keyword tokens
    src = jnp.concatenate([jnp.tile(cls_tok, (bsz, 1, 1)), audio_feat], axis=1)
    # key padding mask: True where padded
    lens = audio_len + KW_NUM
    pos = jnp.arange(total_len)[None, :]
    key_pad = pos >= lens[:, None]
    # multi-head self-attention (post-norm encoder layer)
    q = (src @ Wq).reshape(bsz, total_len, N_HEADS, D_HEAD).transpose(0, 2, 1, 3)
    k = (src @ Wk).reshape(bsz, total_len, N_HEADS, D_HEAD).transpose(0, 2, 1, 3)
    v = (src @ Wv).reshape(bsz, total_len, N_HEADS, D_HEAD).transpose(0, 2, 1, 3)
    scores = jnp.einsum('bhqd,bhkd->bhqk', q, k) / np.sqrt(D_HEAD).astype(np.float32)
    scores = jnp.where(key_pad[:, None, None, :], jnp.float32(-1e9), scores)
    attn = jax.nn.softmax(scores, axis=-1)
    ctx = jnp.einsum('bhqk,bhkd->bhqd', attn, v).transpose(0, 2, 1, 3).reshape(bsz, total_len, D_MODEL)
    src = _layer_norm(src + ctx @ Wo, ln1_g, ln1_b)
    ffn = jax.nn.relu(src @ W1 + b1) @ W2 + b2
    src = _layer_norm(src + ffn, ln2_g, ln2_b)
    # take the keyword (CLS) positions
    keywords = src[:, :KW_NUM, :]
    # project_feats_to_CLIPspace: linear proj + Kw batchnorm (affine)
    kw = keywords @ proj_W + proj_b
    kw = kw * bn_scale + bn_bias
    # cosine similarity against the frozen CLIP token-embedding codebook
    emb = jax.lax.stop_gradient(token_emb)
    kw_n = kw / (jnp.linalg.norm(kw, axis=-1, keepdims=True) + 1e-8)
    emb_n = emb / (jnp.linalg.norm(emb, axis=-1, keepdims=True) + 1e-8)
    cos = jnp.einsum('bnd,vd->bnv', kw_n, emb_n)
    # vector quantizer: straight-through hard assignment over the vocab
    soft = jax.nn.softmax(cos / TAU, axis=-1)
    idx = jnp.argmax(cos, axis=-1)
    hard = jax.nn.one_hot(idx, VOCAB, dtype=soft.dtype)
    subword_prob = hard + soft - jax.lax.stop_gradient(soft)
    # keywords = subword_prob @ token_embedding.weight
    out_kw = jnp.einsum('bnv,vd->bnd', subword_prob, emb)
    return out_kw


def reference(audio_feat, cls_tok, Wq, Wk, Wv, Wo, W1, b1, W2, b2,
              ln1_g, ln1_b, ln2_g, ln2_b, proj_W, proj_b, bn_scale, bn_bias,
              token_emb, audio_len):
    return _forward(audio_feat, cls_tok, Wq, Wk, Wv, Wo, W1, b1, W2, b2,
                    ln1_g, ln1_b, ln2_g, ln2_b, proj_W, proj_b, bn_scale, bn_bias,
                    token_emb, audio_len)

if __name__ == "__main__":
    import jax
    _d = setup_inputs()
    print(jax.jit(kernel)(*tuple(_d.values())))

</pallas_src>

<mosaic_0001>
#map = affine_map<(d0, d1) -> (0, 0)>
#map1 = affine_map<(d0, d1) -> (0)>
module attributes {stable_mosaic.version = 14 : i64} {
  func.func @_sc_gather_body(%arg0: i32, %arg1: i32, %arg2: memref<49408x512xf32, #tpu.memory_space<hbm>>, %arg3: memref<256xi32, #tpu.memory_space<hbm>>, %arg4: memref<256x512xf32, #tpu.memory_space<hbm>>, %arg5: memref<8xi32, #tpu.memory_space<vmem>>, %arg6: memref<8x512xf32, #tpu.memory_space<vmem>>, %arg7: memref<!tpu.dma_semaphore, #tpu.memory_space<semaphore_mem>>) attributes {dimension_semantics = [#tpu.dimension_semantics<core_parallel>, #tpu.dimension_semantics<subcore_parallel>], iteration_bounds = array<i64: 2, 16>, scalar_prefetch = 0 : i64, scratch_operands = 3 : i64, tpu.core_type = #tpu.core_type<sc_vector_subcore>, window_params = [{transform_indices = #map}, {transform_indices = #map1}, {transform_indices = #map}]} {
    %mul3A = arith.constant 2 : i32
    %mul3A_0 = arith.muli %arg1, %mul3A : i32
    %add3A = arith.addi %mul3A_0, %arg0 : i32
    %mul3A_1 = arith.constant 8 : i32
    %mul3A_2 = arith.muli %add3A, %mul3A_1 : i32
    "tpu.region"() ({
      %run_scoped3A = tpu.sem_alloc : memref<!tpu.dma_semaphore, #tpu.memory_space<semaphore_mem>>
      %dma_start3A_7 = tpu.memref_slice %arg3[%mul3A_2] : memref<256xi32, #tpu.memory_space<hbm>> -> memref<8xi32, #tpu.memory_space<hbm>>
      %dma_start3A_8 = tpu.memref_slice %arg3[%mul3A_2] : memref<256xi32, #tpu.memory_space<hbm>> -> memref<8xi32, #tpu.memory_space<hbm>>
      tpu.enqueue_dma source(%dma_start3A_8 : memref<8xi32, #tpu.memory_space<hbm>>) target(%arg5 : memref<8xi32, #tpu.memory_space<vmem>>) target_semaphore(%run_scoped3A : memref<!tpu.dma_semaphore, #tpu.memory_space<semaphore_mem>>)
      %dma_wait3A_9 = tpu.memref_slice %arg3[%mul3A_2] : memref<256xi32, #tpu.memory_space<hbm>> -> memref<8xi32, #tpu.memory_space<hbm>>
      %dma_wait3A_10 = tpu.memref_slice %arg3[%mul3A_2] : memref<256xi32, #tpu.memory_space<hbm>> -> memref<8xi32, #tpu.memory_space<hbm>>
      tpu.wait_dma2 semaphore(%run_scoped3A : memref<!tpu.dma_semaphore, #tpu.memory_space<semaphore_mem>>) src(%dma_wait3A_10 : memref<8xi32, #tpu.memory_space<hbm>>) dst(%arg5 : memref<8xi32, #tpu.memory_space<vmem>>)
      tpu.yield
    }) : () -> ()
    %dma_start3A = arith.constant 0 : i32
    %dma_start3A_3 = arith.constant 0 : i32
    %dma_start3A_4 = tpu.memref_slice %arg2[%dma_start3A, %dma_start3A_3] : memref<49408x512xf32, #tpu.memory_space<hbm>> -> memref<49408x512xf32, #tpu.memory_space<hbm>>
    tpu.enqueue_indirect_dma source(%dma_start3A_4 : memref<49408x512xf32, #tpu.memory_space<hbm>>) target(%arg6 : memref<8x512xf32, #tpu.memory_space<vmem>>) offsets(%arg5 : memref<8xi32, #tpu.memory_space<vmem>>) semaphore(%arg7 : memref<!tpu.dma_semaphore, #tpu.memory_space<semaphore_mem>>)
    %dma_wait3A = arith.constant 0 : i32
    %dma_wait3A_5 = arith.constant 0 : i32
    %dma_wait3A_6 = tpu.memref_slice %arg2[%dma_wait3A, %dma_wait3A_5] : memref<49408x512xf32, #tpu.memory_space<hbm>> -> memref<49408x512xf32, #tpu.memory_space<hbm>>
    tpu.wait_indirect_dma semaphore(%arg7 : memref<!tpu.dma_semaphore, #tpu.memory_space<semaphore_mem>>) src(%dma_wait3A_6 : memref<49408x512xf32, #tpu.memory_space<hbm>>) dst(%arg6 : memref<8x512xf32, #tpu.memory_space<vmem>>)
    "tpu.region"() ({
      %run_scoped3A = tpu.sem_alloc : memref<!tpu.dma_semaphore, #tpu.memory_space<semaphore_mem>>
      %dma_start3A_7 = arith.constant 0 : i32
      %dma_start3A_8 = tpu.memref_slice %arg4[%mul3A_2, %dma_start3A_7] : memref<256x512xf32, #tpu.memory_space<hbm>> -> memref<8x512xf32, #tpu.memory_space<hbm>>
      %dma_start3A_9 = arith.constant 0 : i32
      %dma_start3A_10 = tpu.memref_slice %arg4[%mul3A_2, %dma_start3A_9] : memref<256x512xf32, #tpu.memory_space<hbm>> -> memref<8x512xf32, #tpu.memory_space<hbm>>
      tpu.enqueue_dma source(%arg6 : memref<8x512xf32, #tpu.memory_space<vmem>>) target(%dma_start3A_10 : memref<8x512xf32, #tpu.memory_space<hbm>>) target_semaphore(%run_scoped3A : memref<!tpu.dma_semaphore, #tpu.memory_space<semaphore_mem>>)
      %dma_wait3A_11 = arith.constant 0 : i32
      %dma_wait3A_12 = tpu.memref_slice %arg4[%mul3A_2, %dma_wait3A_11] : memref<256x512xf32, #tpu.memory_space<hbm>> -> memref<8x512xf32, #tpu.memory_space<hbm>>
      %dma_wait3A_13 = arith.constant 0 : i32
      %dma_wait3A_14 = tpu.memref_slice %arg4[%mul3A_2, %dma_wait3A_13] : memref<256x512xf32, #tpu.memory_space<hbm>> -> memref<8x512xf32, #tpu.memory_space<hbm>>
      tpu.wait_dma2 semaphore(%run_scoped3A : memref<!tpu.dma_semaphore, #tpu.memory_space<semaphore_mem>>) src(%arg6 : memref<8x512xf32, #tpu.memory_space<vmem>>) dst(%dma_wait3A_14 : memref<8x512xf32, #tpu.memory_space<hbm>>)
      tpu.yield
    }) : () -> ()
    return
  }
}

module attributes {stable_mosaic.version = 14 : i64} {
  func.func @_head_body(%arg0: memref<256x768xf32, #tpu.memory_space<vmem>>, %arg1: memref<256x768xf32, #tpu.memory_space<vmem>>, %arg2: memref<768x768xf32, #tpu.memory_space<vmem>>, %arg3: memref<1x768xf32, #tpu.memory_space<vmem>>, %arg4: memref<1x768xf32, #tpu.memory_space<vmem>>, %arg5: memref<768x3072xf32, #tpu.memory_space<vmem>>, %arg6: memref<1x3072xf32, #tpu.memory_space<vmem>>, %arg7: memref<3072x768xf32, #tpu.memory_space<vmem>>, %arg8: memref<1x768xf32, #tpu.memory_space<vmem>>, %arg9: memref<1x768xf32, #tpu.memory_space<vmem>>, %arg10: memref<1x768xf32, #tpu.memory_space<vmem>>, %arg11: memref<768x512xf32, #tpu.memory_space<vmem>>, %arg12: memref<1x512xf32, #tpu.memory_space<vmem>>, %arg13: memref<1x512xf32, #tpu.memory_space<vmem>>, %arg14: memref<1x512xf32, #tpu.memory_space<vmem>>, %arg15: memref<256x512xf32, #tpu.memory_space<vmem>>) attributes {dimension_semantics = [], scalar_prefetch = 0 : i64, scratch_operands = 0 : i64, tpu.core_type = #tpu.core_type<tc>} {
    %get3A = arith.constant 0 : index
    %get3A_0 = arith.constant 0 : index
    %get3A_1 = vector.load %arg1[%get3A, %get3A_0] : memref<256x768xf32, #tpu.memory_space<vmem>>, vector<256x768xf32>
    %get3A_2 = arith.constant 0 : index
    %get3A_3 = arith.constant 0 : index
    %get3A_4 = vector.load %arg0[%get3A_2, %get3A_3] : memref<256x768xf32, #tpu.memory_space<vmem>>, vector<256x768xf32>
    %get3A_5 = arith.constant 0 : index
    %get3A_6 = arith.constant 0 : index
    %get3A_7 = vector.load %arg2[%get3A_5, %get3A_6] : memref<768x768xf32, #tpu.memory_space<vmem>>, vector<768x768xf32>
    %dot_general3A = arith.constant dense<0.000000e+00> : vector<256x768xf32>
    %dot_general3A_8 = tpu.matmul %get3A_4, %get3A_7, %dot_general3A {dimension_numbers = #tpu.dot_dimension_numbers<[1], [0], [0], [1], [0, 0, 1, 1], [], []>, transpose_lhs_hint = false} : vector<256x768xf32>, vector<768x768xf32>, vector<256x768xf32> -> vector<256x768xf32>
    %add3A = arith.addf %get3A_1, %dot_general3A_8 : vector<256x768xf32>
    %get3A_9 = arith.constant 0 : index
    %get3A_10 = arith.constant 0 : index
    %get3A_11 = vector.load %arg3[%get3A_9, %get3A_10] : memref<1x768xf32, #tpu.memory_space<vmem>>, vector<1x768xf32>
    %get3A_12 = arith.constant 0 : index
    %get3A_13 = arith.constant 0 : index
    %get3A_14 = vector.load %arg4[%get3A_12, %get3A_13] : memref<1x768xf32, #tpu.memory_space<vmem>>, vector<1x768xf32>
    %reduce_sum3A = arith.constant dense<0.000000e+00> : vector<256xf32>
    %reduce_sum3A_15 = vector.multi_reduction <add>, %add3A, %reduce_sum3A [1] : vector<256x768xf32> to vector<256xf32>
    %broadcast_in_dim3A = vector.shape_cast %reduce_sum3A_15 : vector<256xf32> to vector<256x1xf32>
    %div3A = arith.constant 7.680000e+02 : f32
    %div3A_16 = vector.broadcast %div3A : f32 to vector<256x1xf32>
    %div3A_17 = arith.divf %broadcast_in_dim3A, %div3A_16 : vector<256x1xf32>
    %sub3A = vector.broadcast %div3A_17 : vector<256x1xf32> to vector<256x768xf32>
    %sub3A_18 = arith.subf %add3A, %sub3A : vector<256x768xf32>
    %square3A = arith.mulf %sub3A_18, %sub3A_18 : vector<256x768xf32>
    %reduce_sum3A_19 = arith.constant dense<0.000000e+00> : vector<256xf32>
    %reduce_sum3A_20 = vector.multi_reduction <add>, %square3A, %reduce_sum3A_19 [1] : vector<256x768xf32> to vector<256xf32>
    %broadcast_in_dim3A_21 = vector.shape_cast %reduce_sum3A_20 : vector<256xf32> to vector<256x1xf32>
    %div3A_22 = arith.constant 7.680000e+02 : f32
    %div3A_23 = vector.broadcast %div3A_22 : f32 to vector<256x1xf32>
    %div3A_24 = arith.divf %broadcast_in_dim3A_21, %div3A_23 : vector<256x1xf32>
    %sub3A_25 = vector.broadcast %div3A_17 : vector<256x1xf32> to vector<256x768xf32>
    %sub3A_26 = arith.subf %add3A, %sub3A_25 : vector<256x768xf32>
    %add3A_27 = arith.constant 9.99999974E-6 : f32
    %add3A_28 = vector.broadcast %add3A_27 : f32 to vector<256x1xf32>
    %add3A_29 = arith.addf %div3A_24, %add3A_28 : vector<256x1xf32>
    %sqrt3A = math.sqrt %add3A_29 : vector<256x1xf32>
    %div3A_30 = vector.broadcast %sqrt3A : vector<256x1xf32> to vector<256x768xf32>
    %div3A_31 = arith.divf %sub3A_26, %div3A_30 : vector<256x768xf32>
    %mul3A = vector.broadcast %get3A_11 : vector<1x768xf32> to vector<256x768xf32>
    %mul3A_32 = arith.mulf %div3A_31, %mul3A : vector<256x768xf32>
    %add3A_33 = vector.broadcast %get3A_14 : vector<1x768xf32> to vector<256x768xf32>
    %add3A_34 = arith.addf %mul3A_32, %add3A_33 : vector<256x768xf32>
    %get3A_35 = arith.constant 0 : index
    %get3A_36 = arith.constant 0 : index
    %get3A_37 = vector.load %arg5[%get3A_35, %get3A_36] : memref<768x3072xf32, #tpu.memory_space<vmem>>, vector<768x3072xf32>
    %dot_general3A_38 = arith.constant dense<0.000000e+00> : vector<256x3072xf32>
    %dot_general3A_39 = tpu.matmul %add3A_34, %get3A_37, %dot_general3A_38 {dimension_numbers = #tpu.dot_dimension_numbers<[1], [0], [0], [1], [0, 0, 1, 1], [], []>, transpose_lhs_hint = false} : vector<256x768xf32>, vector<768x3072xf32>, vector<256x3072xf32> -> vector<256x3072xf32>
    %get3A_40 = arith.constant 0 : index
    %get3A_41 = arith.constant 0 : index
    %get3A_42 = vector.load %arg6[%get3A_40, %get3A_41] : memref<1x3072xf32, #tpu.memory_space<vmem>>, vector<1x3072xf32>
    %add3A_43 = vector.broadcast %get3A_42 : vector<1x3072xf32> to vector<256x3072xf32>
    %add3A_44 = arith.addf %dot_general3A_39, %add3A_43 : vector<256x3072xf32>
    %max3A = arith.constant 0.000000e+00 : f32
    %max3A_45 = vector.broadcast %max3A : f32 to vector<256x3072xf32>
    %max3A_46 = arith.maximumf %add3A_44, %max3A_45 : vector<256x3072xf32>
    %get3A_47 = arith.constant 0 : index
    %get3A_48 = arith.constant 0 : index
    %get3A_49 = vector.load %arg7[%get3A_47, %get3A_48] : memref<3072x768xf32, #tpu.memory_space<vmem>>, vector<3072x768xf32>
    %dot_general3A_50 = arith.constant dense<0.000000e+00> : vector<256x768xf32>
    %dot_general3A_51 = tpu.matmul %max3A_46, %get3A_49, %dot_general3A_50 {dimension_numbers = #tpu.dot_dimension_numbers<[1], [0], [0], [1], [0, 0, 1, 1], [], []>, transpose_lhs_hint = false} : vector<256x3072xf32>, vector<3072x768xf32>, vector<256x768xf32> -> vector<256x768xf32>
    %get3A_52 = arith.constant 0 : index
    %get3A_53 = arith.constant 0 : index
    %get3A_54 = vector.load %arg8[%get3A_52, %get3A_53] : memref<1x768xf32, #tpu.memory_space<vmem>>, vector<1x768xf32>
    %add3A_55 = vector.broadcast %get3A_54 : vector<1x768xf32> to vector<256x768xf32>
    %add3A_56 = arith.addf %dot_general3A_51, %add3A_55 : vector<256x768xf32>
    %add3A_57 = arith.addf %add3A_34, %add3A_56 : vector<256x768xf32>
    %get3A_58 = arith.constant 0 : index
    %get3A_59 = arith.constant 0 : index
    %get3A_60 = vector.load %arg9[%get3A_58, %get3A_59] : memref<1x768xf32, #tpu.memory_space<vmem>>, vector<1x768xf32>
    %get3A_61 = arith.constant 0 : index
    %get3A_62 = arith.constant 0 : index
    %get3A_63 = vector.load %arg10[%get3A_61, %get3A_62] : memref<1x768xf32, #tpu.memory_space<vmem>>, vector<1x768xf32>
    %reduce_sum3A_64 = arith.constant dense<0.000000e+00> : vector<256xf32>
    %reduce_sum3A_65 = vector.multi_reduction <add>, %add3A_57, %reduce_sum3A_64 [1] : vector<256x768xf32> to vector<256xf32>
    %broadcast_in_dim3A_66 = vector.shape_cast %reduce_sum3A_65 : vector<256xf32> to vector<256x1xf32>
    %div3A_67 = arith.constant 7.680000e+02 : f32
    %div3A_68 = vector.broadcast %div3A_67 : f32 to vector<256x1xf32>
    %div3A_69 = arith.divf %broadcast_in_dim3A_66, %div3A_68 : vector<256x1xf32>
    %sub3A_70 = vector.broadcast %div3A_69 : vector<256x1xf32> to vector<256x768xf32>
    %sub3A_71 = arith.subf %add3A_57, %sub3A_70 : vector<256x768xf32>
    %square3A_72 = arith.mulf %sub3A_71, %sub3A_71 : vector<256x768xf32>
    %reduce_sum3A_73 = arith.constant dense<0.000000e+00> : vector<256xf32>
    %reduce_sum3A_74 = vector.multi_reduction <add>, %square3A_72, %reduce_sum3A_73 [1] : vector<256x768xf32> to vector<256xf32>
    %broadcast_in_dim3A_75 = vector.shape_cast %reduce_sum3A_74 : vector<256xf32> to vector<256x1xf32>
    %div3A_76 = arith.constant 7.680000e+02 : f32
    %div3A_77 = vector.broadcast %div3A_76 : f32 to vector<256x1xf32>
    %div3A_78 = arith.divf %broadcast_in_dim3A_75, %div3A_77 : vector<256x1xf32>
    %sub3A_79 = vector.broadcast %div3A_69 : vector<256x1xf32> to vector<256x768xf32>
    %sub3A_80 = arith.subf %add3A_57, %sub3A_79 : vector<256x768xf32>
    %add3A_81 = arith.constant 9.99999974E-6 : f32
    %add3A_82 = vector.broadcast %add3A_81 : f32 to vector<256x1xf32>
    %add3A_83 = arith.addf %div3A_78, %add3A_82 : vector<256x1xf32>
    %sqrt3A_84 = math.sqrt %add3A_83 : vector<256x1xf32>
    %div3A_85 = vector.broadcast %sqrt3A_84 : vector<256x1xf32> to vector<256x768xf32>
    %div3A_86 = arith.divf %sub3A_80, %div3A_85 : vector<256x768xf32>
    %mul3A_87 = vector.broadcast %get3A_60 : vector<1x768xf32> to vector<256x768xf32>
    %mul3A_88 = arith.mulf %div3A_86, %mul3A_87 : vector<256x768xf32>
    %add3A_89 = vector.broadcast %get3A_63 : vector<1x768xf32> to vector<256x768xf32>
    %add3A_90 = arith.addf %mul3A_88, %add3A_89 : vector<256x768xf32>
    %get3A_91 = arith.constant 0 : index
    %get3A_92 = arith.constant 0 : index
    %get3A_93 = vector.load %arg11[%get3A_91, %get3A_92] : memref<768x512xf32, #tpu.memory_space<vmem>>, vector<768x512xf32>
    %dot_general3A_94 = arith.constant dense<0.000000e+00> : vector<256x512xf32>
    %dot_general3A_95 = tpu.matmul %add3A_90, %get3A_93, %dot_general3A_94 {dimension_numbers = #tpu.dot_dimension_numbers<[1], [0], [0], [1], [0, 0, 1, 1], [], []>, transpose_lhs_hint = false} : vector<256x768xf32>, vector<768x512xf32>, vector<256x512xf32> -> vector<256x512xf32>
    %get3A_96 = arith.constant 0 : index
    %get3A_97 = arith.constant 0 : index
    %get3A_98 = vector.load %arg12[%get3A_96, %get3A_97] : memref<1x512xf32, #tpu.memory_space<vmem>>, vector<1x512xf32>
    %add3A_99 = vector.broadcast %get3A_98 : vector<1x512xf32> to vector<256x512xf32>
    %add3A_100 = arith.addf %dot_general3A_95, %add3A_99 : vector<256x512xf32>
    %get3A_101 = arith.constant 0 : index
    %get3A_102 = arith.constant 0 : index
    %get3A_103 = vector.load %arg13[%get3A_101, %get3A_102] : memref<1x512xf32, #tpu.memory_space<vmem>>, vector<1x512xf32>
    %mul3A_104 = vector.broadcast %get3A_103 : vector<1x512xf32> to vector<256x512xf32>
    %mul3A_105 = arith.mulf %add3A_100, %mul3A_104 : vector<256x512xf32>
    %get3A_106 = arith.constant 0 : index
    %get3A_107 = arith.constant 0 : index
    %get3A_108 = vector.load %arg14[%get3A_106, %get3A_107] : memref<1x512xf32, #tpu.memory_space<vmem>>, vector<1x512xf32>
    %add3A_109 = vector.broadcast %get3A_108 : vector<1x512xf32> to vector<256x512xf32>
    %add3A_110 = arith.addf %mul3A_105, %add3A_109 : vector<256x512xf32>
    %square3A_111 = arith.mulf %add3A_110, %add3A_110 : vector<256x512xf32>
    %reduce_sum3A_112 = arith.constant dense<0.000000e+00> : vector<256xf32>
    %reduce_sum3A_113 = vector.multi_reduction <add>, %square3A_111, %reduce_sum3A_112 [1] : vector<256x512xf32> to vector<256xf32>
    %broadcast_in_dim3A_114 = vector.shape_cast %reduce_sum3A_113 : vector<256xf32> to vector<256x1xf32>
    %sqrt3A_115 = math.sqrt %broadcast_in_dim3A_114 : vector<256x1xf32>
    %add3A_116 = arith.constant 9.99999993E-9 : f32
    %add3A_117 = vector.broadcast %add3A_116 : f32 to vector<256x1xf32>
    %add3A_118 = arith.addf %sqrt3A_115, %add3A_117 : vector<256x1xf32>
    %div3A_119 = vector.broadcast %add3A_118 : vector<256x1xf32> to vector<256x512xf32>
    %div3A_120 = arith.divf %add3A_110, %div3A_119 : vector<256x512xf32>
    %swap3A = arith.constant 0 : index
    %swap3A_121 = arith.constant 0 : index
    %swap3A_122 = vector.load %arg15[%swap3A, %swap3A_121] : memref<256x512xf32, #tpu.memory_space<vmem>>, vector<256x512xf32>
    tpu.vector_store %arg15[%swap3A, %swap3A_121], %div3A_120 {strides = array<i32>} : memref<256x512xf32, #tpu.memory_space<vmem>>, vector<256x512xf32>,
    return
  }
}

module attributes {stable_mosaic.version = 14 : i64} {
  func.func @_attn_body(%arg0: i32, %arg1: memref<32xi32, #tpu.memory_space<smem>>, %arg2: memref<1x512x768xf32, #tpu.memory_space<vmem>>, %arg3: memref<8x768xf32, #tpu.memory_space<vmem>>, %arg4: memref<768x768xf32, #tpu.memory_space<vmem>>, %arg5: memref<768x768xf32, #tpu.memory_space<vmem>>, %arg6: memref<768x768xf32, #tpu.memory_space<vmem>>, %arg7: memref<1x8x768xf32, #tpu.memory_space<vmem>>, %arg8: memref<8x768xf32, #tpu.memory_space<vmem>>, %arg9: memref<8x768xf32, #tpu.memory_space<vmem>>, %arg10: memref<8x768xf32, #tpu.memory_space<vmem>>) attributes {dimension_semantics = [#tpu.dimension_semantics<arbitrary>], iteration_bounds = array<i64: 32>, scalar_prefetch = 0 : i64, scratch_operands = 3 : i64, tpu.core_type = #tpu.core_type<tc>, window_params = [{transform_indices = @transform_0, window_bounds = array<i64: 32>}, {transform_indices = @transform_1, window_bounds = array<i64: 1, 512, 768>}, {pipeline_mode = #tpu.pipeline_mode<synchronous>, transform_indices = @transform_2, window_bounds = array<i64: 8, 768>}, {pipeline_mode = #tpu.pipeline_mode<synchronous>, transform_indices = @transform_3, window_bounds = array<i64: 768, 768>}, {pipeline_mode = #tpu.pipeline_mode<synchronous>, transform_indices = @transform_4, window_bounds = array<i64: 768, 768>}, {pipeline_mode = #tpu.pipeline_mode<synchronous>, transform_indices = @transform_5, window_bounds = array<i64: 768, 768>}, {transform_indices = @transform_6, window_bounds = array<i64: 1, 8, 768>}]} {
    %eq3A = arith.constant 0 : i32
    %eq3A_0 = arith.cmpi eq, %arg0, %eq3A : i32
    %convert_element_type3A = arith.extui %eq3A_0 : i1 to i32
    %cond3A = arith.constant 0 : i32
    %cond3A_1 = arith.cmpi ne, %convert_element_type3A, %cond3A : i32
    scf.if %cond3A_1 {
      %get3A_423 = arith.constant 0 : index
      %get3A_424 = arith.constant 0 : index
      %get3A_425 = vector.load %arg3[%get3A_423, %get3A_424] : memref<8x768xf32, #tpu.memory_space<vmem>>, vector<8x768xf32>
      %get3A_426 = arith.constant 0 : index
      %get3A_427 = arith.constant 0 : index
      %get3A_428 = vector.load %arg4[%get3A_426, %get3A_427] : memref<768x768xf32, #tpu.memory_space<vmem>>, vector<768x768xf32>
      %dot_general3A_429 = arith.constant dense<0.000000e+00> : vector<8x768xf32>
      %dot_general3A_430 = tpu.matmul %get3A_425, %get3A_428, %dot_general3A_429 {dimension_numbers = #tpu.dot_dimension_numbers<[1], [0], [0], [1], [0, 0, 1, 1], [], []>, transpose_lhs_hint = false} : vector<8x768xf32>, vector<768x768xf32>, vector<8x768xf32> -> vector<8x768xf32>
      %swap3A_431 = arith.constant 0 : index
      %swap3A_432 = arith.constant 0 : index
      %swap3A_433 = vector.load %arg8[%swap3A_431, %swap3A_432] : memref<8x768xf32, #tpu.memory_space<vmem>>, vector<8x768xf32>
      tpu.vector_store %arg8[%swap3A_431, %swap3A_432], %dot_general3A_430 {strides = array<i32>} : memref<8x768xf32, #tpu.memory_space<vmem>>, vector<8x768xf32>,
      %get3A_434 = arith.constant 0 : index
      %get3A_435 = arith.constant 0 : index
      %get3A_436 = vector.load %arg5[%get3A_434, %get3A_435] : memref<768x768xf32, #tpu.memory_space<vmem>>, vector<768x768xf32>
      %dot_general3A_437 = arith.constant dense<0.000000e+00> : vector<8x768xf32>
      %dot_general3A_438 = tpu.matmul %get3A_425, %get3A_436, %dot_general3A_437 {dimension_numbers = #tpu.dot_dimension_numbers<[1], [0], [0], [1], [0, 0, 1, 1], [], []>, transpose_lhs_hint = false} : vector<8x768xf32>, vector<768x768xf32>, vector<8x768xf32> -> vector<8x768xf32>
      %swap3A_439 = arith.constant 0 : index
      %swap3A_440 = arith.constant 0 : index
      %swap3A_441 = vector.load %arg9[%swap3A_439, %swap3A_440] : memref<8x768xf32, #tpu.memory_space<vmem>>, vector<8x768xf32>
      tpu.vector_store %arg9[%swap3A_439, %swap3A_440], %dot_general3A_438 {strides = array<i32>} : memref<8x768xf32, #tpu.memory_space<vmem>>, vector<8x768xf32>,
      %get3A_442 = arith.constant 0 : index
      %get3A_443 = arith.constant 0 : index
      %get3A_444 = vector.load %arg6[%get3A_442, %get3A_443] : memref<768x768xf32, #tpu.memory_space<vmem>>, vector<768x768xf32>
      %dot_general3A_445 = arith.constant dense<0.000000e+00> : vector<8x768xf32>
      %dot_general3A_446 = tpu.matmul %get3A_425, %get3A_444, %dot_general3A_445 {dimension_numbers = #tpu.dot_dimension_numbers<[1], [0], [0], [1], [0, 0, 1, 1], [], []>, transpose_lhs_hint = false} : vector<8x768xf32>, vector<768x768xf32>, vector<8x768xf32> -> vector<8x768xf32>
      %swap3A_447 = arith.constant 0 : index
      %swap3A_448 = arith.constant 0 : index
      %swap3A_449 = vector.load %arg10[%swap3A_447, %swap3A_448] : memref<8x768xf32, #tpu.memory_space<vmem>>, vector<8x768xf32>
      tpu.vector_store %arg10[%swap3A_447, %swap3A_448], %dot_general3A_446 {strides = array<i32>} : memref<8x768xf32, #tpu.memory_space<vmem>>, vector<8x768xf32>,
    } else {
    }
    %get3A = arith.constant 0 : index
    %get3A_2 = arith.constant 0 : index
    %get3A_3 = arith.constant 0 : index
    %get3A_4 = vector.load %arg2[%get3A, %get3A_2, %get3A_3] : memref<1x512x768xf32, #tpu.memory_space<vmem>>, vector<1x512x768xf32>
    %get3A_5 = vector.shape_cast %get3A_4 : vector<1x512x768xf32> to vector<512x768xf32>
    %get3A_6 = arith.constant 0 : index
    %get3A_7 = arith.constant 0 : index
    %get3A_8 = vector.load %arg5[%get3A_6, %get3A_7] : memref<768x768xf32, #tpu.memory_space<vmem>>, vector<768x768xf32>
    %dot_general3A = arith.constant dense<0.000000e+00> : vector<512x768xf32>
    %dot_general3A_9 = tpu.matmul %get3A_5, %get3A_8, %dot_general3A {dimension_numbers = #tpu.dot_dimension_numbers<[1], [0], [0], [1], [0, 0, 1, 1], [], []>, transpose_lhs_hint = false} : vector<512x768xf32>, vector<768x768xf32>, vector<512x768xf32> -> vector<512x768xf32>
    %get3A_10 = arith.constant 0 : index
    %get3A_11 = arith.constant 0 : index
    %get3A_12 = vector.load %arg6[%get3A_10, %get3A_11] : memref<768x768xf32, #tpu.memory_space<vmem>>, vector<768x768xf32>
    %dot_general3A_13 = arith.constant dense<0.000000e+00> : vector<512x768xf32>
    %dot_general3A_14 = tpu.matmul %get3A_5, %get3A_12, %dot_general3A_13 {dimension_numbers = #tpu.dot_dimension_numbers<[1], [0], [0], [1], [0, 0, 1, 1], [], []>, transpose_lhs_hint = false} : vector<512x768xf32>, vector<768x768xf32>, vector<512x768xf32> -> vector<512x768xf32>
    %get3A_15 = arith.constant 0 : index
    %get3A_16 = arith.constant 0 : index
    %get3A_17 = vector.load %arg9[%get3A_15, %get3A_16] : memref<8x768xf32, #tpu.memory_space<vmem>>, vector<8x768xf32>
    %concatenate3A = tpu.concatenate %get3A_17, %dot_general3A_9 in 0 : vector<8x768xf32>, vector<512x768xf32> -> vector<520x768xf32>
    %get3A_18 = arith.constant 0 : index
    %get3A_19 = arith.constant 0 : index
    %get3A_20 = vector.load %arg10[%get3A_18, %get3A_19] : memref<8x768xf32, #tpu.memory_space<vmem>>, vector<8x768xf32>
    %concatenate3A_21 = tpu.concatenate %get3A_20, %dot_general3A_14 in 0 : vector<8x768xf32>, vector<512x768xf32> -> vector<520x768xf32>
    %get3A_22 = arith.index_cast %arg0 : i32 to index
    %get3A_23 = memref.load %arg1[%get3A_22] : memref<32xi32, #tpu.memory_space<smem>>
    %iota3A = tpu.iota {dimensions = array<i32: 1>} : vector<1x520xi32>
    %add3A = arith.constant 8 : i32
    %add3A_24 = arith.addi %get3A_23, %add3A : i32
    %ge3A = vector.broadcast %add3A_24 : i32 to vector<1x520xi32>
    %ge3A_25 = arith.cmpi sge, %iota3A, %ge3A : vector<1x520xi32>
    %get3A_26 = arith.constant 0 : index
    %get3A_27 = arith.constant 0 : index
    %get3A_28 = vector.load %arg8[%get3A_26, %get3A_27] : memref<8x768xf32, #tpu.memory_space<vmem>>, vector<8x64xf32>
    %mul3A = arith.constant 1.250000e-01 : f32
    %mul3A_29 = vector.broadcast %mul3A : f32 to vector<8x64xf32>
    %mul3A_30 = arith.mulf %get3A_28, %mul3A_29 : vector<8x64xf32>
    %slice3A = vector.extract_strided_slice %concatenate3A {offsets = [0, 0], sizes = [520, 64], strides = [1, 1]} : vector<520x768xf32> to vector<520x64xf32>
    %dot_general3A_31 = arith.constant dense<0.000000e+00> : vector<8x520xf32>
    %dot_general3A_32 = tpu.matmul %mul3A_30, %slice3A, %dot_general3A_31 {dimension_numbers = #tpu.dot_dimension_numbers<[1], [1], [0], [0], [0, 0, 1, 0], [], []>, transpose_lhs_hint = false} : vector<8x64xf32>, vector<520x64xf32>, vector<8x520xf32> -> vector<8x520xf32>
    %jit3A = arith.constant -1.000000e+09 : f32
    %broadcast_in_dim3A = vector.shape_cast %ge3A_25 : vector<1x520xi1> to vector<1x520xi1>
    %broadcast_in_dim3A_33 = vector.broadcast %broadcast_in_dim3A : vector<1x520xi1> to vector<8x520xi1>
    %broadcast_in_dim3A_34 = vector.broadcast %jit3A : f32 to vector<8x520xf32>
    %select_n3A = arith.select %broadcast_in_dim3A_33, %broadcast_in_dim3A_34, %dot_general3A_32 : vector<8x520xi1>, vector<8x520xf32>
    %reduce_max3A = arith.constant dense<0xFF800000> : vector<8xf32>
    %reduce_max3A_35 = vector.multi_reduction <maximumf>, %select_n3A, %reduce_max3A [1] : vector<8x520xf32> to vector<8xf32>
    %broadcast_in_dim3A_36 = vector.shape_cast %reduce_max3A_35 : vector<8xf32> to vector<8x1xf32>
    %sub3A = vector.broadcast %broadcast_in_dim3A_36 : vector<8x1xf32> to vector<8x520xf32>
    %sub3A_37 = arith.subf %select_n3A, %sub3A : vector<8x520xf32>
    %exp3A = math.exp %sub3A_37 : vector<8x520xf32>
    %reduce_sum3A = arith.constant dense<0.000000e+00> : vector<8xf32>
    %reduce_sum3A_38 = vector.multi_reduction <add>, %exp3A, %reduce_sum3A [1] : vector<8x520xf32> to vector<8xf32>
    %broadcast_in_dim3A_39 = vector.shape_cast %reduce_sum3A_38 : vector<8xf32> to vector<8x1xf32>
    %div3A = vector.broadcast %broadcast_in_dim3A_39 : vector<8x1xf32> to vector<8x520xf32>
    %div3A_40 = arith.divf %exp3A, %div3A : vector<8x520xf32>
    %slice3A_41 = vector.extract_strided_slice %concatenate3A_21 {offsets = [0, 0], sizes = [520, 64], strides = [1, 1]} : vector<520x768xf32> to vector<520x64xf32>
    %dot_general3A_42 = arith.constant dense<0.000000e+00> : vector<8x64xf32>
    %dot_general3A_43 = tpu.matmul %div3A_40, %slice3A_41, %dot_general3A_42 {dimension_numbers = #tpu.dot_dimension_numbers<[1], [0], [0], [1], [0, 0, 1, 1], [], []>, transpose_lhs_hint = false} : vector<8x520xf32>, vector<520x64xf32>, vector<8x64xf32> -> vector<8x64xf32>
    %swap3A = arith.constant 0 : index
    %swap3A_44 = arith.constant 0 : index
    %swap3A_45 = arith.constant 0 : index
    %swap3A_46 = vector.load %arg7[%swap3A, %swap3A_44, %swap3A_45] : memref<1x8x768xf32, #tpu.memory_space<vmem>>, vector<1x8x64xf32>
    %swap3A_47 = vector.shape_cast %swap3A_46 : vector<1x8x64xf32> to vector<8x64xf32>
    %swap3A_48 = vector.shape_cast %dot_general3A_43 : vector<8x64xf32> to vector<1x8x64xf32>
    tpu.vector_store %arg7[%swap3A, %swap3A_44, %swap3A_45], %swap3A_48 {strides = array<i32>} : memref<1x8x768xf32, #tpu.memory_space<vmem>>, vector<1x8x64xf32>,
    %get3A_49 = arith.constant 0 : index
    %get3A_50 = arith.constant 64 : index
    %get3A_51 = vector.load %arg8[%get3A_49, %get3A_50] : memref<8x768xf32, #tpu.memory_space<vmem>>, vector<8x64xf32>
    %mul3A_52 = arith.constant 1.250000e-01 : f32
    %mul3A_53 = vector.broadcast %mul3A_52 : f32 to vector<8x64xf32>
    %mul3A_54 = arith.mulf %get3A_51, %mul3A_53 : vector<8x64xf32>
    %slice3A_55 = vector.extract_strided_slice %concatenate3A {offsets = [0, 64], sizes = [520, 64], strides = [1, 1]} : vector<520x768xf32> to vector<520x64xf32>
    %dot_general3A_56 = arith.constant dense<0.000000e+00> : vector<8x520xf32>
    %dot_general3A_57 = tpu.matmul %mul3A_54, %slice3A_55, %dot_general3A_56 {dimension_numbers = #tpu.dot_dimension_numbers<[1], [1], [0], [0], [0, 0, 1, 0], [], []>, transpose_lhs_hint = false} : vector<8x64xf32>, vector<520x64xf32>, vector<8x520xf32> -> vector<8x520xf32>
    %jit3A_58 = arith.constant -1.000000e+09 : f32
    %broadcast_in_dim3A_59 = vector.shape_cast %ge3A_25 : vector<1x520xi1> to vector<1x520xi1>
    %broadcast_in_dim3A_60 = vector.broadcast %broadcast_in_dim3A_59 : vector<1x520xi1> to vector<8x520xi1>
    %broadcast_in_dim3A_61 = vector.broadcast %jit3A_58 : f32 to vector<8x520xf32>
    %select_n3A_62 = arith.select %broadcast_in_dim3A_60, %broadcast_in_dim3A_61, %dot_general3A_57 : vector<8x520xi1>, vector<8x520xf32>
    %reduce_max3A_63 = arith.constant dense<0xFF800000> : vector<8xf32>
    %reduce_max3A_64 = vector.multi_reduction <maximumf>, %select_n3A_62, %reduce_max3A_63 [1] : vector<8x520xf32> to vector<8xf32>
    %broadcast_in_dim3A_65 = vector.shape_cast %reduce_max3A_64 : vector<8xf32> to vector<8x1xf32>
    %sub3A_66 = vector.broadcast %broadcast_in_dim3A_65 : vector<8x1xf32> to vector<8x520xf32>
    %sub3A_67 = arith.subf %select_n3A_62, %sub3A_66 : vector<8x520xf32>
    %exp3A_68 = math.exp %sub3A_67 : vector<8x520xf32>
    %reduce_sum3A_69 = arith.constant dense<0.000000e+00> : vector<8xf32>
    %reduce_sum3A_70 = vector.multi_reduction <add>, %exp3A_68, %reduce_sum3A_69 [1] : vector<8x520xf32> to vector<8xf32>
    %broadcast_in_dim3A_71 = vector.shape_cast %reduce_sum3A_70 : vector<8xf32> to vector<8x1xf32>
    %div3A_72 = vector.broadcast %broadcast_in_dim3A_71 : vector<8x1xf32> to vector<8x520xf32>
    %div3A_73 = arith.divf %exp3A_68, %div3A_72 : vector<8x520xf32>
    %slice3A_74 = vector.extract_strided_slice %concatenate3A_21 {offsets = [0, 64], sizes = [520, 64], strides = [1, 1]} : vector<520x768xf32> to vector<520x64xf32>
    %dot_general3A_75 = arith.constant dense<0.000000e+00> : vector<8x64xf32>
    %dot_general3A_76 = tpu.matmul %div3A_73, %slice3A_74, %dot_general3A_75 {dimension_numbers = #tpu.dot_dimension_numbers<[1], [0], [0], [1], [0, 0, 1, 1], [], []>, transpose_lhs_hint = false} : vector<8x520xf32>, vector<520x64xf32>, vector<8x64xf32> -> vector<8x64xf32>
    %swap3A_77 = arith.constant 0 : index
    %swap3A_78 = arith.constant 0 : index
    %swap3A_79 = arith.constant 64 : index
    %swap3A_80 = vector.load %arg7[%swap3A_77, %swap3A_78, %swap3A_79] : memref<1x8x768xf32, #tpu.memory_space<vmem>>, vector<1x8x64xf32>
    %swap3A_81 = vector.shape_cast %swap3A_80 : vector<1x8x64xf32> to vector<8x64xf32>
    %swap3A_82 = vector.shape_cast %dot_general3A_76 : vector<8x64xf32> to vector<1x8x64xf32>
    tpu.vector_store %arg7[%swap3A_77, %swap3A_78, %swap3A_79], %swap3A_82 {strides = array<i32>} : memref<1x8x768xf32, #tpu.memory_space<vmem>>, vector<1x8x64xf32>,
    %get3A_83 = arith.constant 0 : index
    %get3A_84 = arith.constant 128 : index
    %get3A_85 = vector.load %arg8[%get3A_83, %get3A_84] : memref<8x768xf32, #tpu.memory_space<vmem>>, vector<8x64xf32>
    %mul3A_86 = arith.constant 1.250000e-01 : f32
    %mul3A_87 = vector.broadcast %mul3A_86 : f32 to vector<8x64xf32>
    %mul3A_88 = arith.mulf %get3A_85, %mul3A_87 : vector<8x64xf32>
    %slice3A_89 = vector.extract_strided_slice %concatenate3A {offsets = [0, 128], sizes = [520, 64], strides = [1, 1]} : vector<520x768xf32> to vector<520x64xf32>
    %dot_general3A_90 = arith.constant dense<0.000000e+00> : vector<8x520xf32>
    %dot_general3A_91 = tpu.matmul %mul3A_88, %slice3A_89, %dot_general3A_90 {dimension_numbers = #tpu.dot_dimension_numbers<[1], [1], [0], [0], [0, 0, 1, 0], [], []>, transpose_lhs_hint = false} : vector<8x64xf32>, vector<520x64xf32>, vector<8x520xf32> -> vector<8x520xf32>
    %jit3A_92 = arith.constant -1.000000e+09 : f32
    %broadcast_in_dim3A_93 = vector.shape_cast %ge3A_25 : vector<1x520xi1> to vector<1x520xi1>
    %broadcast_in_dim3A_94 = vector.broadcast %broadcast_in_dim3A_93 : vector<1x520xi1> to vector<8x520xi1>
    %broadcast_in_dim3A_95 = vector.broadcast %jit3A_92 : f32 to vector<8x520xf32>
    %select_n3A_96 = arith.select %broadcast_in_dim3A_94, %broadcast_in_dim3A_95, %dot_general3A_91 : vector<8x520xi1>, vector<8x520xf32>
    %reduce_max3A_97 = arith.constant dense<0xFF800000> : vector<8xf32>
    %reduce_max3A_98 = vector.multi_reduction <maximumf>, %select_n3A_96, %reduce_max3A_97 [1] : vector<8x520xf32> to vector<8xf32>
    %broadcast_in_dim3A_99 = vector.shape_cast %reduce_max3A_98 : vector<8xf32> to vector<8x1xf32>
    %sub3A_100 = vector.broadcast %broadcast_in_dim3A_99 : vector<8x1xf32> to vector<8x520xf32>
    %sub3A_101 = arith.subf %select_n3A_96, %sub3A_100 : vector<8x520xf32>
    %exp3A_102 = math.exp %sub3A_101 : vector<8x520xf32>
    %reduce_sum3A_103 = arith.constant dense<0.000000e+00> : vector<8xf32>
    %reduce_sum3A_104 = vector.multi_reduction <add>, %exp3A_102, %reduce_sum3A_103 [1] : vector<8x520xf32> to vector<8xf32>
    %broadcast_in_dim3A_105 = vector.shape_cast %reduce_sum3A_104 : vector<8xf32> to vector<8x1xf32>
    %div3A_106 = vector.broadcast %broadcast_in_dim3A_105 : vector<8x1xf32> to vector<8x520xf32>
    %div3A_107 = arith.divf %exp3A_102, %div3A_106 : vector<8x520xf32>
    %slice3A_108 = vector.extract_strided_slice %concatenate3A_21 {offsets = [0, 128], sizes = [520, 64], strides = [1, 1]} : vector<520x768xf32> to vector<520x64xf32>
    %dot_general3A_109 = arith.constant dense<0.000000e+00> : vector<8x64xf32>
    %dot_general3A_110 = tpu.matmul %div3A_107, %slice3A_108, %dot_general3A_109 {dimension_numbers = #tpu.dot_dimension_numbers<[1], [0], [0], [1], [0, 0, 1, 1], [], []>, transpose_lhs_hint = false} : vector<8x520xf32>, vector<520x64xf32>, vector<8x64xf32> -> vector<8x64xf32>
    %swap3A_111 = arith.constant 0 : index
    %swap3A_112 = arith.constant 0 : index
    %swap3A_113 = arith.constant 128 : index
    %swap3A_114 = vector.load %arg7[%swap3A_111, %swap3A_112, %swap3A_113] : memref<1x8x768xf32, #tpu.memory_space<vmem>>, vector<1x8x64xf32>
    %swap3A_115 = vector.shape_cast %swap3A_114 : vector<1x8x64xf32> to vector<8x64xf32>
    %swap3A_116 = vector.shape_cast %dot_general3A_110 : vector<8x64xf32> to vector<1x8x64xf32>
    tpu.vector_store %arg7[%swap3A_111, %swap3A_112, %swap3A_113], %swap3A_116 {strides = array<i32>} : memref<1x8x768xf32, #tpu.memory_space<vmem>>, vector<1x8x64xf32>,
    %get3A_117 = arith.constant 0 : index
    %get3A_118 = arith.constant 192 : index
    %get3A_119 = vector.load %arg8[%get3A_117, %get3A_118] : memref<8x768xf32, #tpu.memory_space<vmem>>, vector<8x64xf32>
    %mul3A_120 = arith.constant 1.250000e-01 : f32
    %mul3A_121 = vector.broadcast %mul3A_120 : f32 to vector<8x64xf32>
    %mul3A_122 = arith.mulf %get3A_119, %mul3A_121 : vector<8x64xf32>
    %slice3A_123 = vector.extract_strided_slice %concatenate3A {offsets = [0, 192], sizes = [520, 64], strides = [1, 1]} : vector<520x768xf32> to vector<520x64xf32>
    %dot_general3A_124 = arith.constant dense<0.000000e+00> : vector<8x520xf32>
    %dot_general3A_125 = tpu.matmul %mul3A_122, %slice3A_123, %dot_general3A_124 {dimension_numbers = #tpu.dot_dimension_numbers<[1], [1], [0], [0], [0, 0, 1, 0], [], []>, transpose_lhs_hint = false} : vector<8x64xf32>, vector<520x64xf32>, vector<8x520xf32> -> vector<8x520xf32>
    %jit3A_126 = arith.constant -1.000000e+09 : f32
    %broadcast_in_dim3A_127 = vector.shape_cast %ge3A_25 : vector<1x520xi1> to vector<1x520xi1>
    %broadcast_in_dim3A_128 = vector.broadcast %broadcast_in_dim3A_127 : vector<1x520xi1> to vector<8x520xi1>
    %broadcast_in_dim3A_129 = vector.broadcast %jit3A_126 : f32 to vector<8x520xf32>
    %select_n3A_130 = arith.select %broadcast_in_dim3A_128, %broadcast_in_dim3A_129, %dot_general3A_125 : vector<8x520xi1>, vector<8x520xf32>
    %reduce_max3A_131 = arith.constant dense<0xFF800000> : vector<8xf32>
    %reduce_max3A_132 = vector.multi_reduction <maximumf>, %select_n3A_130, %reduce_max3A_131 [1] : vector<8x520xf32> to vector<8xf32>
    %broadcast_in_dim3A_133 = vector.shape_cast %reduce_max3A_132 : vector<8xf32> to vector<8x1xf32>
    %sub3A_134 = vector.broadcast %broadcast_in_dim3A_133 : vector<8x1xf32> to vector<8x520xf32>
    %sub3A_135 = arith.subf %select_n3A_130, %sub3A_134 : vector<8x520xf32>
    %exp3A_136 = math.exp %sub3A_135 : vector<8x520xf32>
    %reduce_sum3A_137 = arith.constant dense<0.000000e+00> : vector<8xf32>
    %reduce_sum3A_138 = vector.multi_reduction <add>, %exp3A_136, %reduce_sum3A_137 [1] : vector<8x520xf32> to vector<8xf32>
    %broadcast_in_dim3A_139 = vector.shape_cast %reduce_sum3A_138 : vector<8xf32> to vector<8x1xf32>
    %div3A_140 = vector.broadcast %broadcast_in_dim3A_139 : vector<8x1xf32> to vector<8x520xf32>
    %div3A_141 = arith.divf %exp3A_136, %div3A_140 : vector<8x520xf32>
    %slice3A_142 = vector.extract_strided_slice %concatenate3A_21 {offsets = [0, 192], sizes = [520, 64], strides = [1, 1]} : vector<520x768xf32> to vector<520x64xf32>
    %dot_general3A_143 = arith.constant dense<0.000000e+00> : vector<8x64xf32>
    %dot_general3A_144 = tpu.matmul %div3A_141, %slice3A_142, %dot_general3A_143 {dimension_numbers = #tpu.dot_dimension_numbers<[1], [0], [0], [1], [0, 0, 1, 1], [], []>, transpose_lhs_hint = false} : vector<8x520xf32>, vector<520x64xf32>, vector<8x64xf32> -> vector<8x64xf32>
    %swap3A_145 = arith.constant 0 : index
    %swap3A_146 = arith.constant 0 : index
    %swap3A_147 = arith.constant 192 : index
    %swap3A_148 = vector.load %arg7[%swap3A_145, %swap3A_146, %swap3A_147] : memref<1x8x768xf32, #tpu.memory_space<vmem>>, vector<1x8x64xf32>
    %swap3A_149 = vector.shape_cast %swap3A_148 : vector<1x8x64xf32> to vector<8x64xf32>
    %swap3A_150 = vector.shape_cast %dot_general3A_144 : vector<8x64xf32> to vector<1x8x64xf32>
    tpu.vector_store %arg7[%swap3A_145, %swap3A_146, %swap3A_147], %swap3A_150 {strides = array<i32>} : memref<1x8x768xf32, #tpu.memory_space<vmem>>, vector<1x8x64xf32>,
    %get3A_151 = arith.constant 0 : index
    %get3A_152 = arith.constant 256 : index
    %get3A_153 = vector.load %arg8[%get3A_151, %get3A_152] : memref<8x768xf32, #tpu.memory_space<vmem>>, vector<8x64xf32>
    %mul3A_154 = arith.constant 1.250000e-01 : f32
    %mul3A_155 = vector.broadcast %mul3A_154 : f32 to vector<8x64xf32>
    %mul3A_156 = arith.mulf %get3A_153, %mul3A_155 : vector<8x64xf32>
    %slice3A_157 = vector.extract_strided_slice %concatenate3A {offsets = [0, 256], sizes = [520, 64], strides = [1, 1]} : vector<520x768xf32> to vector<520x64xf32>
    %dot_general3A_158 = arith.constant dense<0.000000e+00> : vector<8x520xf32>
    %dot_general3A_159 = tpu.matmul %mul3A_156, %slice3A_157, %dot_general3A_158 {dimension_numbers = #tpu.dot_dimension_numbers<[1], [1], [0], [0], [0, 0, 1, 0], [], []>, transpose_lhs_hint = false} : vector<8x64xf32>, vector<520x64xf32>, vector<8x520xf32> -> vector<8x520xf32>
    %jit3A_160 = arith.constant -1.000000e+09 : f32
    %broadcast_in_dim3A_161 = vector.shape_cast %ge3A_25 : vector<1x520xi1> to vector<1x520xi1>
    %broadcast_in_dim3A_162 = vector.broadcast %broadcast_in_dim3A_161 : vector<1x520xi1> to vector<8x520xi1>
    %broadcast_in_dim3A_163 = vector.broadcast %jit3A_160 : f32 to vector<8x520xf32>
    %select_n3A_164 = arith.select %broadcast_in_dim3A_162, %broadcast_in_dim3A_163, %dot_general3A_159 : vector<8x520xi1>, vector<8x520xf32>
    %reduce_max3A_165 = arith.constant dense<0xFF800000> : vector<8xf32>
    %reduce_max3A_166 = vector.multi_reduction <maximumf>, %select_n3A_164, %reduce_max3A_165 [1] : vector<8x520xf32> to vector<8xf32>
    %broadcast_in_dim3A_167 = vector.shape_cast %reduce_max3A_166 : vector<8xf32> to vector<8x1xf32>
    %sub3A_168 = vector.broadcast %broadcast_in_dim3A_167 : vector<8x1xf32> to vector<8x520xf32>
    %sub3A_169 = arith.subf %select_n3A_164, %sub3A_168 : vector<8x520xf32>
    %exp3A_170 = math.exp %sub3A_169 : vector<8x520xf32>
    %reduce_sum3A_171 = arith.constant dense<0.000000e+00> : vector<8xf32>
    %reduce_sum3A_172 = vector.multi_reduction <add>, %exp3A_170, %reduce_sum3A_171 [1] : vector<8x520xf32> to vector<8xf32>
    %broadcast_in_dim3A_173 = vector.shape_cast %reduce_sum3A_172 : vector<8xf32> to vector<8x1xf32>
    %div3A_174 = vector.broadcast %broadcast_in_dim3A_173 : vector<8x1xf32> to vector<8x520xf32>
    %div3A_175 = arith.divf %exp3A_170, %div3A_174 : vector<8x520xf32>
    %slice3A_176 = vector.extract_strided_slice %concatenate3A_21 {offsets = [0, 256], sizes = [520, 64], strides = [1, 1]} : vector<520x768xf32> to vector<520x64xf32>
    %dot_general3A_177 = arith.constant dense<0.000000e+00> : vector<8x64xf32>
    %dot_general3A_178 = tpu.matmul %div3A_175, %slice3A_176, %dot_general3A_177 {dimension_numbers = #tpu.dot_dimension_numbers<[1], [0], [0], [1], [0, 0, 1, 1], [], []>, transpose_lhs_hint = false} : vector<8x520xf32>, vector<520x64xf32>, vector<8x64xf32> -> vector<8x64xf32>
    %swap3A_179 = arith.constant 0 : index
    %swap3A_180 = arith.constant 0 : index
    %swap3A_181 = arith.constant 256 : index
    %swap3A_182 = vector.load %arg7[%swap3A_179, %swap3A_180, %swap3A_181] : memref<1x8x768xf32, #tpu.memory_space<vmem>>, vector<1x8x64xf32>
    %swap3A_183 = vector.shape_cast %swap3A_182 : vector<1x8x64xf32> to vector<8x64xf32>
    %swap3A_184 = vector.shape_cast %dot_general3A_178 : vector<8x64xf32> to vector<1x8x64xf32>
    tpu.vector_store %arg7[%swap3A_179, %swap3A_180, %swap3A_181], %swap3A_184 {strides = array<i32>} : memref<1x8x768xf32, #tpu.memory_space<vmem>>, vector<1x8x64xf32>,
    %get3A_185 = arith.constant 0 : index
    %get3A_186 = arith.constant 320 : index
    %get3A_187 = vector.load %arg8[%get3A_185, %get3A_186] : memref<8x768xf32, #tpu.memory_space<vmem>>, vector<8x64xf32>
    %mul3A_188 = arith.constant 1.250000e-01 : f32
    %mul3A_189 = vector.broadcast %mul3A_188 : f32 to vector<8x64xf32>
    %mul3A_190 = arith.mulf %get3A_187, %mul3A_189 : vector<8x64xf32>
    %slice3A_191 = vector.extract_strided_slice %concatenate3A {offsets = [0, 320], sizes = [520, 64], strides = [1, 1]} : vector<520x768xf32> to vector<520x64xf32>
    %dot_general3A_192 = arith.constant dense<0.000000e+00> : vector<8x520xf32>
    %dot_general3A_193 = tpu.matmul %mul3A_190, %slice3A_191, %dot_general3A_192 {dimension_numbers = #tpu.dot_dimension_numbers<[1], [1], [0], [0], [0, 0, 1, 0], [], []>, transpose_lhs_hint = false} : vector<8x64xf32>, vector<520x64xf32>, vector<8x520xf32> -> vector<8x520xf32>
    %jit3A_194 = arith.constant -1.000000e+09 : f32
    %broadcast_in_dim3A_195 = vector.shape_cast %ge3A_25 : vector<1x520xi1> to vector<1x520xi1>
    %broadcast_in_dim3A_196 = vector.broadcast %broadcast_in_dim3A_195 : vector<1x520xi1> to vector<8x520xi1>
    %broadcast_in_dim3A_197 = vector.broadcast %jit3A_194 : f32 to vector<8x520xf32>
    %select_n3A_198 = arith.select %broadcast_in_dim3A_196, %broadcast_in_dim3A_197, %dot_general3A_193 : vector<8x520xi1>, vector<8x520xf32>
    %reduce_max3A_199 = arith.constant dense<0xFF800000> : vector<8xf32>
    %reduce_max3A_200 = vector.multi_reduction <maximumf>, %select_n3A_198, %reduce_max3A_199 [1] : vector<8x520xf32> to vector<8xf32>
    %broadcast_in_dim3A_201 = vector.shape_cast %reduce_max3A_200 : vector<8xf32> to vector<8x1xf32>
    %sub3A_202 = vector.broadcast %broadcast_in_dim3A_201 : vector<8x1xf32> to vector<8x520xf32>
    %sub3A_203 = arith.subf %select_n3A_198, %sub3A_202 : vector<8x520xf32>
    %exp3A_204 = math.exp %sub3A_203 : vector<8x520xf32>
    %reduce_sum3A_205 = arith.constant dense<0.000000e+00> : vector<8xf32>
    %reduce_sum3A_206 = vector.multi_reduction <add>, %exp3A_204, %reduce_sum3A_205 [1] : vector<8x520xf32> to vector<8xf32>
    %broadcast_in_dim3A_207 = vector.shape_cast %reduce_sum3A_206 : vector<8xf32> to vector<8x1xf32>
    %div3A_208 = vector.broadcast %broadcast_in_dim3A_207 : vector<8x1xf32> to vector<8x520xf32>
    %div3A_209 = arith.divf %exp3A_204, %div3A_208 : vector<8x520xf32>
    %slice3A_210 = vector.extract_strided_slice %concatenate3A_21 {offsets = [0, 320], sizes = [520, 64], strides = [1, 1]} : vector<520x768xf32> to vector<520x64xf32>
    %dot_general3A_211 = arith.constant dense<0.000000e+00> : vector<8x64xf32>
    %dot_general3A_212 = tpu.matmul %div3A_209, %slice3A_210, %dot_general3A_211 {dimension_numbers = #tpu.dot_dimension_numbers<[1], [0], [0], [1], [0, 0, 1, 1], [], []>, transpose_lhs_hint = false} : vector<8x520xf32>, vector<520x64xf32>, vector<8x64xf32> -> vector<8x64xf32>
    %swap3A_213 = arith.constant 0 : index
    %swap3A_214 = arith.constant 0 : index
    %swap3A_215 = arith.constant 320 : index
    %swap3A_216 = vector.load %arg7[%swap3A_213, %swap3A_214, %swap3A_215] : memref<1x8x768xf32, #tpu.memory_space<vmem>>, vector<1x8x64xf32>
    %swap3A_217 = vector.shape_cast %swap3A_216 : vector<1x8x64xf32> to vector<8x64xf32>
    %swap3A_218 = vector.shape_cast %dot_general3A_212 : vector<8x64xf32> to vector<1x8x64xf32>
    tpu.vector_store %arg7[%swap3A_213, %swap3A_214, %swap3A_215], %swap3A_218 {strides = array<i32>} : memref<1x8x768xf32, #tpu.memory_space<vmem>>, vector<1x8x64xf32>,
    %get3A_219 = arith.constant 0 : index
    %get3A_220 = arith.constant 384 : index
    %get3A_221 = vector.load %arg8[%get3A_219, %get3A_220] : memref<8x768xf32, #tpu.memory_space<vmem>>, vector<8x64xf32>
    %mul3A_222 = arith.constant 1.250000e-01 : f32
    %mul3A_223 = vector.broadcast %mul3A_222 : f32 to vector<8x64xf32>
    %mul3A_224 = arith.mulf %get3A_221, %mul3A_223 : vector<8x64xf32>
    %slice3A_225 = vector.extract_strided_slice %concatenate3A {offsets = [0, 384], sizes = [520, 64], strides = [1, 1]} : vector<520x768xf32> to vector<520x64xf32>
    %dot_general3A_226 = arith.constant dense<0.000000e+00> : vector<8x520xf32>
    %dot_general3A_227 = tpu.matmul %mul3A_224, %slice3A_225, %dot_general3A_226 {dimension_numbers = #tpu.dot_dimension_numbers<[1], [1], [0], [0], [0, 0, 1, 0], [], []>, transpose_lhs_hint = false} : vector<8x64xf32>, vector<520x64xf32>, vector<8x520xf32> -> vector<8x520xf32>
    %jit3A_228 = arith.constant -1.000000e+09 : f32
    %broadcast_in_dim3A_229 = vector.shape_cast %ge3A_25 : vector<1x520xi1> to vector<1x520xi1>
    %broadcast_in_dim3A_230 = vector.broadcast %broadcast_in_dim3A_229 : vector<1x520xi1> to vector<8x520xi1>
    %broadcast_in_dim3A_231 = vector.broadcast %jit3A_228 : f32 to vector<8x520xf32>
    %select_n3A_232 = arith.select %broadcast_in_dim3A_230, %broadcast_in_dim3A_231, %dot_general3A_227 : vector<8x520xi1>, vector<8x520xf32>
    %reduce_max3A_233 = arith.constant dense<0xFF800000> : vector<8xf32>
    %reduce_max3A_234 = vector.multi_reduction <maximumf>, %select_n3A_232, %reduce_max3A_233 [1] : vector<8x520xf32> to vector<8xf32>
    %broadcast_in_dim3A_235 = vector.shape_cast %reduce_max3A_234 : vector<8xf32> to vector<8x1xf32>
    %sub3A_236 = vector.broadcast %broadcast_in_dim3A_235 : vector<8x1xf32> to vector<8x520xf32>
    %sub3A_237 = arith.subf %select_n3A_232, %sub3A_236 : vector<8x520xf32>
    %exp3A_238 = math.exp %sub3A_237 : vector<8x520xf32>
    %reduce_sum3A_239 = arith.constant dense<0.000000e+00> : vector<8xf32>
    %reduce_sum3A_240 = vector.multi_reduction <add>, %exp3A_238, %reduce_sum3A_239 [1] : vector<8x520xf32> to vector<8xf32>
    %broadcast_in_dim3A_241 = vector.shape_cast %reduce_sum3A_240 : vector<8xf32> to vector<8x1xf32>
    %div3A_242 = vector.broadcast %broadcast_in_dim3A_241 : vector<8x1xf32> to vector<8x520xf32>
    %div3A_243 = arith.divf %exp3A_238, %div3A_242 : vector<8x520xf32>
    %slice3A_244 = vector.extract_strided_slice %concatenate3A_21 {offsets = [0, 384], sizes = [520, 64], strides = [1, 1]} : vector<520x768xf32> to vector<520x64xf32>
    %dot_general3A_245 = arith.constant dense<0.000000e+00> : vector<8x64xf32>
    %dot_general3A_246 = tpu.matmul %div3A_243, %slice3A_244, %dot_general3A_245 {dimension_numbers = #tpu.dot_dimension_numbers<[1], [0], [0], [1], [0, 0, 1, 1], [], []>, transpose_lhs_hint = false} : vector<8x520xf32>, vector<520x64xf32>, vector<8x64xf32> -> vector<8x64xf32>
    %swap3A_247 = arith.constant 0 : index
    %swap3A_248 = arith.constant 0 : index
    %swap3A_249 = arith.constant 384 : index
    %swap3A_250 = vector.load %arg7[%swap3A_247, %swap3A_248, %swap3A_249] : memref<1x8x768xf32, #tpu.memory_space<vmem>>, vector<1x8x64xf32>
    %swap3A_251 = vector.shape_cast %swap3A_250 : vector<1x8x64xf32> to vector<8x64xf32>
    %swap3A_252 = vector.shape_cast %dot_general3A_246 : vector<8x64xf32> to vector<1x8x64xf32>
    tpu.vector_store %arg7[%swap3A_247, %swap3A_248, %swap3A_249], %swap3A_252 {strides = array<i32>} : memref<1x8x768xf32, #tpu.memory_space<vmem>>, vector<1x8x64xf32>,
    %get3A_253 = arith.constant 0 : index
    %get3A_254 = arith.constant 448 : index
    %get3A_255 = vector.load %arg8[%get3A_253, %get3A_254] : memref<8x768xf32, #tpu.memory_space<vmem>>, vector<8x64xf32>
    %mul3A_256 = arith.constant 1.250000e-01 : f32
    %mul3A_257 = vector.broadcast %mul3A_256 : f32 to vector<8x64xf32>
    %mul3A_258 = arith.mulf %get3A_255, %mul3A_257 : vector<8x64xf32>
    %slice3A_259 = vector.extract_strided_slice %concatenate3A {offsets = [0, 448], sizes = [520, 64], strides = [1, 1]} : vector<520x768xf32> to vector<520x64xf32>
    %dot_general3A_260 = arith.constant dense<0.000000e+00> : vector<8x520xf32>
    %dot_general3A_261 = tpu.matmul %mul3A_258, %slice3A_259, %dot_general3A_260 {dimension_numbers = #tpu.dot_dimension_numbers<[1], [1], [0], [0], [0, 0, 1, 0], [], []>, transpose_lhs_hint = false} : vector<8x64xf32>, vector<520x64xf32>, vector<8x520xf32> -> vector<8x520xf32>
    %jit3A_262 = arith.constant -1.000000e+09 : f32
    %broadcast_in_dim3A_263 = vector.shape_cast %ge3A_25 : vector<1x520xi1> to vector<1x520xi1>
    %broadcast_in_dim3A_264 = vector.broadcast %broadcast_in_dim3A_263 : vector<1x520xi1> to vector<8x520xi1>
    %broadcast_in_dim3A_265 = vector.broadcast %jit3A_262 : f32 to vector<8x520xf32>
    %select_n3A_266 = arith.select %broadcast_in_dim3A_264, %broadcast_in_dim3A_265, %dot_general3A_261 : vector<8x520xi1>, vector<8x520xf32>
    %reduce_max3A_267 = arith.constant dense<0xFF800000> : vector<8xf32>
    %reduce_max3A_268 = vector.multi_reduction <maximumf>, %select_n3A_266, %reduce_max3A_267 [1] : vector<8x520xf32> to vector<8xf32>
    %broadcast_in_dim3A_269 = vector.shape_cast %reduce_max3A_268 : vector<8xf32> to vector<8x1xf32>
    %sub3A_270 = vector.broadcast %broadcast_in_dim3A_269 : vector<8x1xf32> to vector<8x520xf32>
    %sub3A_271 = arith.subf %select_n3A_266, %sub3A_270 : vector<8x520xf32>
    %exp3A_272 = math.exp %sub3A_271 : vector<8x520xf32>
    %reduce_sum3A_273 = arith.constant dense<0.000000e+00> : vector<8xf32>
    %reduce_sum3A_274 = vector.multi_reduction <add>, %exp3A_272, %reduce_sum3A_273 [1] : vector<8x520xf32> to vector<8xf32>
    %broadcast_in_dim3A_275 = vector.shape_cast %reduce_sum3A_274 : vector<8xf32> to vector<8x1xf32>
    %div3A_276 = vector.broadcast %broadcast_in_dim3A_275 : vector<8x1xf32> to vector<8x520xf32>
    %div3A_277 = arith.divf %exp3A_272, %div3A_276 : vector<8x520xf32>
    %slice3A_278 = vector.extract_strided_slice %concatenate3A_21 {offsets = [0, 448], sizes = [520, 64], strides = [1, 1]} : vector<520x768xf32> to vector<520x64xf32>
    %dot_general3A_279 = arith.constant dense<0.000000e+00> : vector<8x64xf32>
    %dot_general3A_280 = tpu.matmul %div3A_277, %slice3A_278, %dot_general3A_279 {dimension_numbers = #tpu.dot_dimension_numbers<[1], [0], [0], [1], [0, 0, 1, 1], [], []>, transpose_lhs_hint = false} : vector<8x520xf32>, vector<520x64xf32>, vector<8x64xf32> -> vector<8x64xf32>
    %swap3A_281 = arith.constant 0 : index
    %swap3A_282 = arith.constant 0 : index
    %swap3A_283 = arith.constant 448 : index
    %swap3A_284 = vector.load %arg7[%swap3A_281, %swap3A_282, %swap3A_283] : memref<1x8x768xf32, #tpu.memory_space<vmem>>, vector<1x8x64xf32>
    %swap3A_285 = vector.shape_cast %swap3A_284 : vector<1x8x64xf32> to vector<8x64xf32>
    %swap3A_286 = vector.shape_cast %dot_general3A_280 : vector<8x64xf32> to vector<1x8x64xf32>
    tpu.vector_store %arg7[%swap3A_281, %swap3A_282, %swap3A_283], %swap3A_286 {strides = array<i32>} : memref<1x8x768xf32, #tpu.memory_space<vmem>>, vector<1x8x64xf32>,
    %get3A_287 = arith.constant 0 : index
    %get3A_288 = arith.constant 512 : index
    %get3A_289 = vector.load %arg8[%get3A_287, %get3A_288] : memref<8x768xf32, #tpu.memory_space<vmem>>, vector<8x64xf32>
    %mul3A_290 = arith.constant 1.250000e-01 : f32
    %mul3A_291 = vector.broadcast %mul3A_290 : f32 to vector<8x64xf32>
    %mul3A_292 = arith.mulf %get3A_289, %mul3A_291 : vector<8x64xf32>
    %slice3A_293 = vector.extract_strided_slice %concatenate3A {offsets = [0, 512], sizes = [520, 64], strides = [1, 1]} : vector<520x768xf32> to vector<520x64xf32>
    %dot_general3A_294 = arith.constant dense<0.000000e+00> : vector<8x520xf32>
    %dot_general3A_295 = tpu.matmul %mul3A_292, %slice3A_293, %dot_general3A_294 {dimension_numbers = #tpu.dot_dimension_numbers<[1], [1], [0], [0], [0, 0, 1, 0], [], []>, transpose_lhs_hint = false} : vector<8x64xf32>, vector<520x64xf32>, vector<8x520xf32> -> vector<8x520xf32>
    %jit3A_296 = arith.constant -1.000000e+09 : f32
    %broadcast_in_dim3A_297 = vector.shape_cast %ge3A_25 : vector<1x520xi1> to vector<1x520xi1>
    %broadcast_in_dim3A_298 = vector.broadcast %broadcast_in_dim3A_297 : vector<1x520xi1> to vector<8x520xi1>
    %broadcast_in_dim3A_299 = vector.broadcast %jit3A_296 : f32 to vector<8x520xf32>
    %select_n3A_300 = arith.select %broadcast_in_dim3A_298, %broadcast_in_dim3A_299, %dot_general3A_295 : vector<8x520xi1>, vector<8x520xf32>
    %reduce_max3A_301 = arith.constant dense<0xFF800000> : vector<8xf32>
    %reduce_max3A_302 = vector.multi_reduction <maximumf>, %select_n3A_300, %reduce_max3A_301 [1] : vector<8x520xf32> to vector<8xf32>
    %broadcast_in_dim3A_303 = vector.shape_cast %reduce_max3A_302 : vector<8xf32> to vector<8x1xf32>
    %sub3A_304 = vector.broadcast %broadcast_in_dim3A_303 : vector<8x1xf32> to vector<8x520xf32>
    %sub3A_305 = arith.subf %select_n3A_300, %sub3A_304 : vector<8x520xf32>
    %exp3A_306 = math.exp %sub3A_305 : vector<8x520xf32>
    %reduce_sum3A_307 = arith.constant dense<0.000000e+00> : vector<8xf32>
    %reduce_sum3A_308 = vector.multi_reduction <add>, %exp3A_306, %reduce_sum3A_307 [1] : vector<8x520xf32> to vector<8xf32>
    %broadcast_in_dim3A_309 = vector.shape_cast %reduce_sum3A_308 : vector<8xf32> to vector<8x1xf32>
    %div3A_310 = vector.broadcast %broadcast_in_dim3A_309 : vector<8x1xf32> to vector<8x520xf32>
    %div3A_311 = arith.divf %exp3A_306, %div3A_310 : vector<8x520xf32>
    %slice3A_312 = vector.extract_strided_slice %concatenate3A_21 {offsets = [0, 512], sizes = [520, 64], strides = [1, 1]} : vector<520x768xf32> to vector<520x64xf32>
    %dot_general3A_313 = arith.constant dense<0.000000e+00> : vector<8x64xf32>
    %dot_general3A_314 = tpu.matmul %div3A_311, %slice3A_312, %dot_general3A_313 {dimension_numbers = #tpu.dot_dimension_numbers<[1], [0], [0], [1], [0, 0, 1, 1], [], []>, transpose_lhs_hint = false} : vector<8x520xf32>, vector<520x64xf32>, vector<8x64xf32> -> vector<8x64xf32>
    %swap3A_315 = arith.constant 0 : index
    %swap3A_316 = arith.constant 0 : index
    %swap3A_317 = arith.constant 512 : index
    %swap3A_318 = vector.load %arg7[%swap3A_315, %swap3A_316, %swap3A_317] : memref<1x8x768xf32, #tpu.memory_space<vmem>>, vector<1x8x64xf32>
    %swap3A_319 = vector.shape_cast %swap3A_318 : vector<1x8x64xf32> to vector<8x64xf32>
    %swap3A_320 = vector.shape_cast %dot_general3A_314 : vector<8x64xf32> to vector<1x8x64xf32>
    tpu.vector_store %arg7[%swap3A_315, %swap3A_316, %swap3A_317], %swap3A_320 {strides = array<i32>} : memref<1x8x768xf32, #tpu.memory_space<vmem>>, vector<1x8x64xf32>,
    %get3A_321 = arith.constant 0 : index
    %get3A_322 = arith.constant 576 : index
    %get3A_323 = vector.load %arg8[%get3A_321, %get3A_322] : memref<8x768xf32, #tpu.memory_space<vmem>>, vector<8x64xf32>
    %mul3A_324 = arith.constant 1.250000e-01 : f32
    %mul3A_325 = vector.broadcast %mul3A_324 : f32 to vector<8x64xf32>
    %mul3A_326 = arith.mulf %get3A_323, %mul3A_325 : vector<8x64xf32>
    %slice3A_327 = vector.extract_strided_slice %concatenate3A {offsets = [0, 576], sizes = [520, 64], strides = [1, 1]} : vector<520x768xf32> to vector<520x64xf32>
    %dot_general3A_328 = arith.constant dense<0.000000e+00> : vector<8x520xf32>
    %dot_general3A_329 = tpu.matmul %mul3A_326, %slice3A_327, %dot_general3A_328 {dimension_numbers = #tpu.dot_dimension_numbers<[1], [1], [0], [0], [0, 0, 1, 0], [], []>, transpose_lhs_hint = false} : vector<8x64xf32>, vector<520x64xf32>, vector<8x520xf32> -> vector<8x520xf32>
    %jit3A_330 = arith.constant -1.000000e+09 : f32
    %broadcast_in_dim3A_331 = vector.shape_cast %ge3A_25 : vector<1x520xi1> to vector<1x520xi1>
    %broadcast_in_dim3A_332 = vector.broadcast %broadcast_in_dim3A_331 : vector<1x520xi1> to vector<8x520xi1>
    %broadcast_in_dim3A_333 = vector.broadcast %jit3A_330 : f32 to vector<8x520xf32>
    %select_n3A_334 = arith.select %broadcast_in_dim3A_332, %broadcast_in_dim3A_333, %dot_general3A_329 : vector<8x520xi1>, vector<8x520xf32>
    %reduce_max3A_335 = arith.constant dense<0xFF800000> : vector<8xf32>
    %reduce_max3A_336 = vector.multi_reduction <maximumf>, %select_n3A_334, %reduce_max3A_335 [1] : vector<8x520xf32> to vector<8xf32>
    %broadcast_in_dim3A_337 = vector.shape_cast %reduce_max3A_336 : vector<8xf32> to vector<8x1xf32>
    %sub3A_338 = vector.broadcast %broadcast_in_dim3A_337 : vector<8x1xf32> to vector<8x520xf32>
    %sub3A_339 = arith.subf %select_n3A_334, %sub3A_338 : vector<8x520xf32>
    %exp3A_340 = math.exp %sub3A_339 : vector<8x520xf32>
    %reduce_sum3A_341 = arith.constant dense<0.000000e+00> : vector<8xf32>
    %reduce_sum3A_342 = vector.multi_reduction <add>, %exp3A_340, %reduce_sum3A_341 [1] : vector<8x520xf32> to vector<8xf32>
    %broadcast_in_dim3A_343 = vector.shape_cast %reduce_sum3A_342 : vector<8xf32> to vector<8x1xf32>
    %div3A_344 = vector.broadcast %broadcast_in_dim3A_343 : vector<8x1xf32> to vector<8x520xf32>
    %div3A_345 = arith.divf %exp3A_340, %div3A_344 : vector<8x520xf32>
    %slice3A_346 = vector.extract_strided_slice %concatenate3A_21 {offsets = [0, 576], sizes = [520, 64], strides = [1, 1]} : vector<520x768xf32> to vector<520x64xf32>
    %dot_general3A_347 = arith.constant dense<0.000000e+00> : vector<8x64xf32>
    %dot_general3A_348 = tpu.matmul %div3A_345, %slice3A_346, %dot_general3A_347 {dimension_numbers = #tpu.dot_dimension_numbers<[1], [0], [0], [1], [0, 0, 1, 1], [], []>, transpose_lhs_hint = false} : vector<8x520xf32>, vector<520x64xf32>, vector<8x64xf32> -> vector<8x64xf32>
    %swap3A_349 = arith.constant 0 : index
    %swap3A_350 = arith.constant 0 : index
    %swap3A_351 = arith.constant 576 : index
    %swap3A_352 = vector.load %arg7[%swap3A_349, %swap3A_350, %swap3A_351] : memref<1x8x768xf32, #tpu.memory_space<vmem>>, vector<1x8x64xf32>
    %swap3A_353 = vector.shape_cast %swap3A_352 : vector<1x8x64xf32> to vector<8x64xf32>
    %swap3A_354 = vector.shape_cast %dot_general3A_348 : vector<8x64xf32> to vector<1x8x64xf32>
    tpu.vector_store %arg7[%swap3A_349, %swap3A_350, %swap3A_351], %swap3A_354 {strides = array<i32>} : memref<1x8x768xf32, #tpu.memory_space<vmem>>, vector<1x8x64xf32>,
    %get3A_355 = arith.constant 0 : index
    %get3A_356 = arith.constant 640 : index
    %get3A_357 = vector.load %arg8[%get3A_355, %get3A_356] : memref<8x768xf32, #tpu.memory_space<vmem>>, vector<8x64xf32>
    %mul3A_358 = arith.constant 1.250000e-01 : f32
    %mul3A_359 = vector.broadcast %mul3A_358 : f32 to vector<8x64xf32>
    %mul3A_360 = arith.mulf %get3A_357, %mul3A_359 : vector<8x64xf32>
    %slice3A_361 = vector.extract_strided_slice %concatenate3A {offsets = [0, 640], sizes = [520, 64], strides = [1, 1]} : vector<520x768xf32> to vector<520x64xf32>
    %dot_general3A_362 = arith.constant dense<0.000000e+00> : vector<8x520xf32>
    %dot_general3A_363 = tpu.matmul %mul3A_360, %slice3A_361, %dot_general3A_362 {dimension_numbers = #tpu.dot_dimension_numbers<[1], [1], [0], [0], [0, 0, 1, 0], [], []>, transpose_lhs_hint = false} : vector<8x64xf32>, vector<520x64xf32>, vector<8x520xf32> -> vector<8x520xf32>
    %jit3A_364 = arith.constant -1.000000e+09 : f32
    %broadcast_in_dim3A_365 = vector.shape_cast %ge3A_25 : vector<1x520xi1> to vector<1x520xi1>
    %broadcast_in_dim3A_366 = vector.broadcast %broadcast_in_dim3A_365 : vector<1x520xi1> to vector<8x520xi1>
    %broadcast_in_dim3A_367 = vector.broadcast %jit3A_364 : f32 to vector<8x520xf32>
    %select_n3A_368 = arith.select %broadcast_in_dim3A_366, %broadcast_in_dim3A_367, %dot_general3A_363 : vector<8x520xi1>, vector<8x520xf32>
    %reduce_max3A_369 = arith.constant dense<0xFF800000> : vector<8xf32>
    %reduce_max3A_370 = vector.multi_reduction <maximumf>, %select_n3A_368, %reduce_max3A_369 [1] : vector<8x520xf32> to vector<8xf32>
    %broadcast_in_dim3A_371 = vector.shape_cast %reduce_max3A_370 : vector<8xf32> to vector<8x1xf32>
    %sub3A_372 = vector.broadcast %broadcast_in_dim3A_371 : vector<8x1xf32> to vector<8x520xf32>
    %sub3A_373 = arith.subf %select_n3A_368, %sub3A_372 : vector<8x520xf32>
    %exp3A_374 = math.exp %sub3A_373 : vector<8x520xf32>
    %reduce_sum3A_375 = arith.constant dense<0.000000e+00> : vector<8xf32>
    %reduce_sum3A_376 = vector.multi_reduction <add>, %exp3A_374, %reduce_sum3A_375 [1] : vector<8x520xf32> to vector<8xf32>
    %broadcast_in_dim3A_377 = vector.shape_cast %reduce_sum3A_376 : vector<8xf32> to vector<8x1xf32>
    %div3A_378 = vector.broadcast %broadcast_in_dim3A_377 : vector<8x1xf32> to vector<8x520xf32>
    %div3A_379 = arith.divf %exp3A_374, %div3A_378 : vector<8x520xf32>
    %slice3A_380 = vector.extract_strided_slice %concatenate3A_21 {offsets = [0, 640], sizes = [520, 64], strides = [1, 1]} : vector<520x768xf32> to vector<520x64xf32>
    %dot_general3A_381 = arith.constant dense<0.000000e+00> : vector<8x64xf32>
    %dot_general3A_382 = tpu.matmul %div3A_379, %slice3A_380, %dot_general3A_381 {dimension_numbers = #tpu.dot_dimension_numbers<[1], [0], [0], [1], [0, 0, 1, 1], [], []>, transpose_lhs_hint = false} : vector<8x520xf32>, vector<520x64xf32>, vector<8x64xf32> -> vector<8x64xf32>
    %swap3A_383 = arith.constant 0 : index
    %swap3A_384 = arith.constant 0 : index
    %swap3A_385 = arith.constant 640 : index
    %swap3A_386 = vector.load %arg7[%swap3A_383, %swap3A_384, %swap3A_385] : memref<1x8x768xf32, #tpu.memory_space<vmem>>, vector<1x8x64xf32>
    %swap3A_387 = vector.shape_cast %swap3A_386 : vector<1x8x64xf32> to vector<8x64xf32>
    %swap3A_388 = vector.shape_cast %dot_general3A_382 : vector<8x64xf32> to vector<1x8x64xf32>
    tpu.vector_store %arg7[%swap3A_383, %swap3A_384, %swap3A_385], %swap3A_388 {strides = array<i32>} : memref<1x8x768xf32, #tpu.memory_space<vmem>>, vector<1x8x64xf32>,
    %get3A_389 = arith.constant 0 : index
    %get3A_390 = arith.constant 704 : index
    %get3A_391 = vector.load %arg8[%get3A_389, %get3A_390] : memref<8x768xf32, #tpu.memory_space<vmem>>, vector<8x64xf32>
    %mul3A_392 = arith.constant 1.250000e-01 : f32
    %mul3A_393 = vector.broadcast %mul3A_392 : f32 to vector<8x64xf32>
    %mul3A_394 = arith.mulf %get3A_391, %mul3A_393 : vector<8x64xf32>
    %slice3A_395 = vector.extract_strided_slice %concatenate3A {offsets = [0, 704], sizes = [520, 64], strides = [1, 1]} : vector<520x768xf32> to vector<520x64xf32>
    %dot_general3A_396 = arith.constant dense<0.000000e+00> : vector<8x520xf32>
    %dot_general3A_397 = tpu.matmul %mul3A_394, %slice3A_395, %dot_general3A_396 {dimension_numbers = #tpu.dot_dimension_numbers<[1], [1], [0], [0], [0, 0, 1, 0], [], []>, transpose_lhs_hint = false} : vector<8x64xf32>, vector<520x64xf32>, vector<8x520xf32> -> vector<8x520xf32>
    %jit3A_398 = arith.constant -1.000000e+09 : f32
    %broadcast_in_dim3A_399 = vector.shape_cast %ge3A_25 : vector<1x520xi1> to vector<1x520xi1>
    %broadcast_in_dim3A_400 = vector.broadcast %broadcast_in_dim3A_399 : vector<1x520xi1> to vector<8x520xi1>
    %broadcast_in_dim3A_401 = vector.broadcast %jit3A_398 : f32 to vector<8x520xf32>
    %select_n3A_402 = arith.select %broadcast_in_dim3A_400, %broadcast_in_dim3A_401, %dot_general3A_397 : vector<8x520xi1>, vector<8x520xf32>
    %reduce_max3A_403 = arith.constant dense<0xFF800000> : vector<8xf32>
    %reduce_max3A_404 = vector.multi_reduction <maximumf>, %select_n3A_402, %reduce_max3A_403 [1] : vector<8x520xf32> to vector<8xf32>
    %broadcast_in_dim3A_405 = vector.shape_cast %reduce_max3A_404 : vector<8xf32> to vector<8x1xf32>
    %sub3A_406 = vector.broadcast %broadcast_in_dim3A_405 : vector<8x1xf32> to vector<8x520xf32>
    %sub3A_407 = arith.subf %select_n3A_402, %sub3A_406 : vector<8x520xf32>
    %exp3A_408 = math.exp %sub3A_407 : vector<8x520xf32>
    %reduce_sum3A_409 = arith.constant dense<0.000000e+00> : vector<8xf32>
    %reduce_sum3A_410 = vector.multi_reduction <add>, %exp3A_408, %reduce_sum3A_409 [1] : vector<8x520xf32> to vector<8xf32>
    %broadcast_in_dim3A_411 = vector.shape_cast %reduce_sum3A_410 : vector<8xf32> to vector<8x1xf32>
    %div3A_412 = vector.broadcast %broadcast_in_dim3A_411 : vector<8x1xf32> to vector<8x520xf32>
    %div3A_413 = arith.divf %exp3A_408, %div3A_412 : vector<8x520xf32>
    %slice3A_414 = vector.extract_strided_slice %concatenate3A_21 {offsets = [0, 704], sizes = [520, 64], strides = [1, 1]} : vector<520x768xf32> to vector<520x64xf32>
    %dot_general3A_415 = arith.constant dense<0.000000e+00> : vector<8x64xf32>
    %dot_general3A_416 = tpu.matmul %div3A_413, %slice3A_414, %dot_general3A_415 {dimension_numbers = #tpu.dot_dimension_numbers<[1], [0], [0], [1], [0, 0, 1, 1], [], []>, transpose_lhs_hint = false} : vector<8x520xf32>, vector<520x64xf32>, vector<8x64xf32> -> vector<8x64xf32>
    %swap3A_417 = arith.constant 0 : index
    %swap3A_418 = arith.constant 0 : index
    %swap3A_419 = arith.constant 704 : index
    %swap3A_420 = vector.load %arg7[%swap3A_417, %swap3A_418, %swap3A_419] : memref<1x8x768xf32, #tpu.memory_space<vmem>>, vector<1x8x64xf32>
    %swap3A_421 = vector.shape_cast %swap3A_420 : vector<1x8x64xf32> to vector<8x64xf32>
    %swap3A_422 = vector.shape_cast %dot_general3A_416 : vector<8x64xf32> to vector<1x8x64xf32>
    tpu.vector_store %arg7[%swap3A_417, %swap3A_418, %swap3A_419], %swap3A_422 {strides = array<i32>} : memref<1x8x768xf32, #tpu.memory_space<vmem>>, vector<1x8x64xf32>,
    return
  }
  func.func @transform_0(%arg0: i32) -> i32 {
    %c0_i32 = arith.constant 0 : i32
    %c0_i32_0 = arith.constant 0 : i32
    return %c0_i32 : i32
  }
  func.func @transform_1(%arg0: i32) -> (i32, i32, i32) {
    %c0_i32 = arith.constant 0 : i32
    %c0_i32_0 = arith.constant 0 : i32
    %c0_i32_1 = arith.constant 0 : i32
    return %arg0, %c0_i32, %c0_i32_0 : i32, i32, i32
  }
  func.func @transform_2(%arg0: i32) -> (i32, i32) {
    %c0_i32 = arith.constant 0 : i32
    %c0_i32_0 = arith.constant 0 : i32
    %c0_i32_1 = arith.constant 0 : i32
    return %c0_i32, %c0_i32_0 : i32, i32
  }
  func.func @transform_3(%arg0: i32) -> (i32, i32) {
    %c0_i32 = arith.constant 0 : i32
    %c0_i32_0 = arith.constant 0 : i32
    %c0_i32_1 = arith.constant 0 : i32
    return %c0_i32, %c0_i32_0 : i32, i32
  }
  func.func @transform_4(%arg0: i32) -> (i32, i32) {
    %c0_i32 = arith.constant 0 : i32
    %c0_i32_0 = arith.constant 0 : i32
    %c0_i32_1 = arith.constant 0 : i32
    return %c0_i32, %c0_i32_0 : i32, i32
  }
  func.func @transform_5(%arg0: i32) -> (i32, i32) {
    %c0_i32 = arith.constant 0 : i32
    %c0_i32_0 = arith.constant 0 : i32
    %c0_i32_1 = arith.constant 0 : i32
    return %c0_i32, %c0_i32_0 : i32, i32
  }
  func.func @transform_6(%arg0: i32) -> (i32, i32, i32) {
    %c0_i32 = arith.constant 0 : i32
    %c0_i32_0 = arith.constant 0 : i32
    %c0_i32_1 = arith.constant 0 : i32
    return %arg0, %c0_i32, %c0_i32_0 : i32, i32, i32
  }
}

module attributes {stable_mosaic.version = 14 : i64} {
  func.func @_argmax_body(%arg0: i32, %arg1: memref<256x512xf32, #tpu.memory_space<vmem>>, %arg2: memref<2048x512xf32, #tpu.memory_space<vmem>>, %arg3: memref<256x1xi32, #tpu.memory_space<vmem>>, %arg4: memref<256x1xf32, #tpu.memory_space<vmem>>, %arg5: memref<256x1xi32, #tpu.memory_space<vmem>>) attributes {dimension_semantics = [#tpu.dimension_semantics<arbitrary>], iteration_bounds = array<i64: 25>, scalar_prefetch = 0 : i64, scratch_operands = 2 : i64, tpu.core_type = #tpu.core_type<tc>, window_params = [{pipeline_mode = #tpu.pipeline_mode<synchronous>, transform_indices = @transform_0, window_bounds = array<i64: 256, 512>}, {transform_indices = @transform_1, window_bounds = array<i64: 2048, 512>}, {pipeline_mode = #tpu.pipeline_mode<synchronous>, transform_indices = @transform_2, window_bounds = array<i64: 256, 1>}]} {
    %get3A = arith.constant 0 : index
    %get3A_0 = arith.constant 0 : index
    %get3A_1 = vector.load %arg2[%get3A, %get3A_0] : memref<2048x512xf32, #tpu.memory_space<vmem>>, vector<2048x512xf32>
    %square3A = arith.mulf %get3A_1, %get3A_1 : vector<2048x512xf32>
    %reduce_sum3A = arith.constant dense<0.000000e+00> : vector<2048xf32>
    %reduce_sum3A_2 = vector.multi_reduction <add>, %square3A, %reduce_sum3A [1] : vector<2048x512xf32> to vector<2048xf32>
    %broadcast_in_dim3A = vector.shape_cast %reduce_sum3A_2 : vector<2048xf32> to vector<2048x1xf32>
    %sqrt3A = math.sqrt %broadcast_in_dim3A : vector<2048x1xf32>
    %add3A = arith.constant 9.99999993E-9 : f32
    %add3A_3 = vector.broadcast %add3A : f32 to vector<2048x1xf32>
    %add3A_4 = arith.addf %sqrt3A, %add3A_3 : vector<2048x1xf32>
    %div3A = vector.broadcast %add3A_4 : vector<2048x1xf32> to vector<2048x512xf32>
    %div3A_5 = arith.divf %get3A_1, %div3A : vector<2048x512xf32>
    %get3A_6 = arith.constant 0 : index
    %get3A_7 = arith.constant 0 : index
    %get3A_8 = vector.load %arg1[%get3A_6, %get3A_7] : memref<256x512xf32, #tpu.memory_space<vmem>>, vector<256x512xf32>
    %dot_general3A = arith.constant dense<0.000000e+00> : vector<256x2048xf32>
    %dot_general3A_9 = tpu.matmul %get3A_8, %div3A_5, %dot_general3A {dimension_numbers = #tpu.dot_dimension_numbers<[1], [1], [0], [0], [0, 0, 1, 0], [], []>, transpose_lhs_hint = false} : vector<256x512xf32>, vector<2048x512xf32>, vector<256x2048xf32> -> vector<256x2048xf32>
    %mul3A = arith.constant 2048 : i32
    %mul3A_10 = arith.muli %arg0, %mul3A : i32
    %iota3A = tpu.iota {dimensions = array<i32: 1>} : vector<1x2048xi32>
    %add3A_11 = vector.broadcast %mul3A_10 : i32 to vector<1x2048xi32>
    %add3A_12 = arith.addi %add3A_11, %iota3A : vector<1x2048xi32>
    %lt3A = arith.constant 49408 : i32
    %lt3A_13 = vector.broadcast %lt3A : i32 to vector<1x2048xi32>
    %lt3A_14 = arith.cmpi slt, %add3A_12, %lt3A_13 : vector<1x2048xi32>
    %jit3A = arith.constant -3.000000e+38 : f32
    %broadcast_in_dim3A_15 = vector.shape_cast %lt3A_14 : vector<1x2048xi1> to vector<1x2048xi1>
    %broadcast_in_dim3A_16 = vector.broadcast %broadcast_in_dim3A_15 : vector<1x2048xi1> to vector<256x2048xi1>
    %broadcast_in_dim3A_17 = vector.broadcast %jit3A : f32 to vector<256x2048xf32>
    %select_n3A = arith.select %broadcast_in_dim3A_16, %dot_general3A_9, %broadcast_in_dim3A_17 : vector<256x2048xi1>, vector<256x2048xf32>
    %reduce_max3A = arith.constant dense<0xFF800000> : vector<256xf32>
    %reduce_max3A_18 = vector.multi_reduction <maximumf>, %select_n3A, %reduce_max3A [1] : vector<256x2048xf32> to vector<256xf32>
    %broadcast_in_dim3A_19 = vector.shape_cast %reduce_max3A_18 : vector<256xf32> to vector<256x1xf32>
    %eq3A = vector.broadcast %broadcast_in_dim3A_19 : vector<256x1xf32> to vector<256x2048xf32>
    %eq3A_20 = arith.cmpf oeq, %select_n3A, %eq3A : vector<256x2048xf32>
    %jit3A_21 = arith.constant 2147483647 : i32
    %broadcast_in_dim3A_22 = vector.shape_cast %add3A_12 : vector<1x2048xi32> to vector<1x2048xi32>
    %broadcast_in_dim3A_23 = vector.broadcast %broadcast_in_dim3A_22 : vector<1x2048xi32> to vector<256x2048xi32>
    %broadcast_in_dim3A_24 = vector.broadcast %jit3A_21 : i32 to vector<256x2048xi32>
    %select_n3A_25 = arith.select %eq3A_20, %broadcast_in_dim3A_23, %broadcast_in_dim3A_24 : vector<256x2048xi1>, vector<256x2048xi32>
    %reduce_min3A = arith.constant dense<2147483647> : vector<256xi32>
    %reduce_min3A_26 = vector.multi_reduction <minsi>, %select_n3A_25, %reduce_min3A [1] : vector<256x2048xi32> to vector<256xi32>
    %broadcast_in_dim3A_27 = vector.shape_cast %reduce_min3A_26 : vector<256xi32> to vector<256x1xi32>
    %eq3A_28 = arith.constant 0 : i32
    %eq3A_29 = arith.cmpi eq, %arg0, %eq3A_28 : i32
    %convert_element_type3A = arith.extui %eq3A_29 : i1 to i32
    %cond3A = arith.constant 0 : i32
    %cond3A_30 = arith.cmpi ne, %convert_element_type3A, %cond3A : i32
    scf.if %cond3A_30 {
      %swap3A = arith.constant 0 : index
      %swap3A_40 = arith.constant 0 : index
      %swap3A_41 = vector.load %arg4[%swap3A, %swap3A_40] : memref<256x1xf32, #tpu.memory_space<vmem>>, vector<256x1xf32>
      tpu.vector_store %arg4[%swap3A, %swap3A_40], %broadcast_in_dim3A_19 {strides = array<i32>} : memref<256x1xf32, #tpu.memory_space<vmem>>, vector<256x1xf32>,
      %swap3A_42 = arith.constant 0 : index
      %swap3A_43 = arith.constant 0 : index
      %swap3A_44 = vector.load %arg5[%swap3A_42, %swap3A_43] : memref<256x1xi32, #tpu.memory_space<vmem>>, vector<256x1xi32>
      tpu.vector_store %arg5[%swap3A_42, %swap3A_43], %broadcast_in_dim3A_27 {strides = array<i32>} : memref<256x1xi32, #tpu.memory_space<vmem>>, vector<256x1xi32>,
    } else {
    }
    %gt3A = arith.constant 0 : i32
    %gt3A_31 = arith.cmpi sgt, %arg0, %gt3A : i32
    %convert_element_type3A_32 = arith.extui %gt3A_31 : i1 to i32
    %cond3A_33 = arith.constant 0 : i32
    %cond3A_34 = arith.cmpi ne, %convert_element_type3A_32, %cond3A_33 : i32
    scf.if %cond3A_34 {
      %get3A_40 = arith.constant 0 : index
      %get3A_41 = arith.constant 0 : index
      %get3A_42 = vector.load %arg4[%get3A_40, %get3A_41] : memref<256x1xf32, #tpu.memory_space<vmem>>, vector<256x1xf32>
      %gt3A_43 = arith.cmpf ogt, %broadcast_in_dim3A_19, %get3A_42 : vector<256x1xf32>
      %get3A_44 = arith.constant 0 : index
      %get3A_45 = arith.constant 0 : index
      %get3A_46 = vector.load %arg4[%get3A_44, %get3A_45] : memref<256x1xf32, #tpu.memory_space<vmem>>, vector<256x1xf32>
      %select_n3A_47 = arith.select %gt3A_43, %broadcast_in_dim3A_19, %get3A_46 : vector<256x1xi1>, vector<256x1xf32>
      %swap3A = arith.constant 0 : index
      %swap3A_48 = arith.constant 0 : index
      %swap3A_49 = vector.load %arg4[%swap3A, %swap3A_48] : memref<256x1xf32, #tpu.memory_space<vmem>>, vector<256x1xf32>
      tpu.vector_store %arg4[%swap3A, %swap3A_48], %select_n3A_47 {strides = array<i32>} : memref<256x1xf32, #tpu.memory_space<vmem>>, vector<256x1xf32>,
      %get3A_50 = arith.constant 0 : index
      %get3A_51 = arith.constant 0 : index
      %get3A_52 = vector.load %arg5[%get3A_50, %get3A_51] : memref<256x1xi32, #tpu.memory_space<vmem>>, vector<256x1xi32>
      %select_n3A_53 = arith.select %gt3A_43, %broadcast_in_dim3A_27, %get3A_52 : vector<256x1xi1>, vector<256x1xi32>
      %swap3A_54 = arith.constant 0 : index
      %swap3A_55 = arith.constant 0 : index
      %swap3A_56 = vector.load %arg5[%swap3A_54, %swap3A_55] : memref<256x1xi32, #tpu.memory_space<vmem>>, vector<256x1xi32>
      tpu.vector_store %arg5[%swap3A_54, %swap3A_55], %select_n3A_53 {strides = array<i32>} : memref<256x1xi32, #tpu.memory_space<vmem>>, vector<256x1xi32>,
    } else {
    }
    %eq3A_35 = arith.constant 24 : i32
    %eq3A_36 = arith.cmpi eq, %arg0, %eq3A_35 : i32
    %convert_element_type3A_37 = arith.extui %eq3A_36 : i1 to i32
    %cond3A_38 = arith.constant 0 : i32
    %cond3A_39 = arith.cmpi ne, %convert_element_type3A_37, %cond3A_38 : i32
    scf.if %cond3A_39 {
      %get3A_40 = arith.constant 0 : index
      %get3A_41 = arith.constant 0 : index
      %get3A_42 = vector.load %arg5[%get3A_40, %get3A_41] : memref<256x1xi32, #tpu.memory_space<vmem>>, vector<256x1xi32>
      %swap3A = arith.constant 0 : index
      %swap3A_43 = arith.constant 0 : index
      %swap3A_44 = vector.load %arg3[%swap3A, %swap3A_43] : memref<256x1xi32, #tpu.memory_space<vmem>>, vector<256x1xi32>
      tpu.vector_store %arg3[%swap3A, %swap3A_43], %get3A_42 {strides = array<i32>} : memref<256x1xi32, #tpu.memory_space<vmem>>, vector<256x1xi32>,
    } else {
    }
    return
  }
  func.func @transform_0(%arg0: i32) -> (i32, i32) {
    %c0_i32 = arith.constant 0 : i32
    %c0_i32_0 = arith.constant 0 : i32
    %c0_i32_1 = arith.constant 0 : i32
    return %c0_i32, %c0_i32_0 : i32, i32
  }
  func.func @transform_1(%arg0: i32) -> (i32, i32) {
    %c0_i32 = arith.constant 0 : i32
    %c0_i32_0 = arith.constant 0 : i32
    return %arg0, %c0_i32 : i32, i32
  }
  func.func @transform_2(%arg0: i32) -> (i32, i32) {
    %c0_i32 = arith.constant 0 : i32
    %c0_i32_0 = arith.constant 0 : i32
    %c0_i32_1 = arith.constant 0 : i32
    return %c0_i32, %c0_i32_0 : i32, i32
  }
}

</mosaic_0001>

<sc_bundles>
// kernel: kernel.6.cloned.1.call-start
scs
__scs_entry_jumppad:
0x0: {  	(pc) =	sbr.rel $0x88, $3  }
0x1: {  	(tag) =	ssettag $0x0;
	lr =	simm.s32 $0x1  }
0x2: {  	[smem:$0x3F8D] =	sst lr;
	_ =	strace $0xD0000000  }
0x3: {  	_ = 	snop  }
0x4: {  	_ = 	snop  }
0x5: {  	_ = 	snop  }
0x6: {  	_ = 	snop  }
0x7: {  	_ = 	snop  }
__scs_overlays_trampoline_lowered:
0x8: {  	[smem:$0x3F9C] =	sst s0  }
0x9: {  	[smem:$0x3F9D] =	sst s1  }
0xa: {  	[smem:$0x3F9E] =	sst s2  }
0xb: {  	[smem:$0x3F9F] =	sst s3  }
0xc: {  	[smem:$0x3FA0] =	sst s4  }
0xd: {  	[smem:$0x3FA1] =	sst s5  }
0xe: {  	[smem:$0x3FA2] =	sst s6  }
0xf: {  	[smem:$0x3FA3] =	sst s7  }
0x10: {  	[smem:$0x3FA4] =	sst s8  }
0x11: {  	[smem:$0x3FA5] =	sst s9;
	s0 =	simm.s32 @!p0 $0x0  }
0x12: {  	s1 =	sld [smem:$0x3F8B];
	s0 =	simm.s32 @p0 $0x1  }
0x13: {  	[smem:$0x3FA6] =	sst s0;
	s0 =	simm.s32 @!p1 $0x0  }
0x14: {  	s2 =	sld [smem:$0x3F8A];
	s0 =	simm.s32 @p1 $0x1  }
0x15: {  	[smem:$0x3FA7] =	sst s0;
	s0 =	simm.s32 @!p2 $0x0  }
0x16: {  	s3 =	sld [smem:$0x3FDB];
	s0 =	simm.s32 @p2 $0x1  }
0x17: {  	s4 =	simm.s32 $0x1BF5;
	[smem:$0x3FA9] =	sst s0  }
0x18: {  	s0 =	sld [smem:$0x3F8C];
	_ =	swait.ge [sflag:s4], $0x0  }
0x19: {  	s7 =	sld [smem:$0x3F8D]  }
0x1a: {  	s8 =	sadd.s32 $0xFFFFE003, lr  }
0x1b: {  	s9 =	sadd.s32 $0xFFFFFEF7, lr;
	s5 =	simm.s32 $0xFFFFFFFF;
	p2 =	slt.u32 s8, $0xFFFFF086  }
0x1c: {  	p1 =	slt.u32 s9, $0xF7A;
	s5 =	simm.s32 @!p2 $0x0  }
0x1d: {  	s5 =	simm.s32 @p1 $0x1;
	p0 =	seq.s32 s7, s2  }
0x1e: {  	s7 =	smul.u32 @!p0 $0xF7A, s2;
	p2 =	seq.s32 @!p0 s5, $0x0  }
0x1f: {  	s9 =	smul.u32 $0xF7A, s1;
	s8 =	simm.s32 @!p0 $0x1BF5;
	p2 =	por !p2, p0  }
0x20: {  	[sflag:s8] =	ssyncset.s32 @!p0 $0xFFFFF086;
	s6 =	sadd.s32 @!p0 s3, s7;
	s7 =	simm.s32 @!p0 $0x108  }
0x21: {  	s3 =	sadd.s32 s3, s9;
	s6 =	sadd.s32 @!p0 $0x88, s6;
	s7 =	simm.s32 @p2 $0x1082  }
0x22: {  	[simem:s7], [sflag:s8] =	dma.local @!p0 [hbm:s6], $0xF7A  }
0x23: {  	s9 =	sor.u32 $0xD0000000, s2;
	s6 =	simm.s32 $0x108;
	_ =	swait.ge @!p0 [sflag:s8], $0x0  }
0x24: {  	s3 =	sadd.s32 $0x88, s3;
	s6 =	simm.s32 @!p1 $0x1082;
	[sflag:s4] =	ssyncset.s32 $0xFFFFF086  }
0x25: {  	[simem:s6], [sflag:s4] =	dma.local [hbm:s3], $0xF7A  }
0x26: {  	[smem:$0x3F8D] =	sst s1;
	(tag) =	ssettag s2;
	_ =	strace s9  }
0x27: {  	s1 =	sld [smem:$0x3F9D]  }
0x28: {  	s2 =	sld [smem:$0x3F9E]  }
0x29: {  	s4 =	sld [smem:$0x3FA0]  }
0x2a: {  	p0 =	seq.s32 s5, $0x0;
	s5 =	sld [smem:$0x3FA1]  }
0x2b: {  	s6 =	sld [smem:$0x3FA2]  }
0x2c: {  	s7 =	sld [smem:$0x3FA3]  }
0x2d: {  	s3 =	simm.s32 $0x108;
	s8 =	sld [smem:$0x3FA4]  }
0x2e: {  	s3 =	simm.s32 @!p0 $0x1082;
	s9 =	sld [smem:$0x3FA5]  }
0x2f: {  	lr =	sadd.s32 s0, s3;
	s0 =	sld [smem:$0x3F9C]  }
0x30: {  	s3 =	sld [smem:$0x3F9F]  }
0x31: {  	[smem:$0x3FA8] =	sst s10  }
0x32: {  	s10 =	sld [smem:$0x3FA6];
	_ =	sdelay $0x3  }
0x33: {  	p0 =	seq.s32 s10, $0x1;
	s10 =	sld [smem:$0x3FA8];
	_ =	sdelay $0x3  }
0x34: {  	[smem:$0x3FA8] =	sst s10  }
0x35: {  	s10 =	sld [smem:$0x3FA7];
	_ =	sdelay $0x3  }
0x36: {  	p1 =	seq.s32 s10, $0x1;
	s10 =	sld [smem:$0x3FA8];
	_ =	sdelay $0x3  }
0x37: {  	[smem:$0x3FA8] =	sst s10  }
0x38: {  	s10 =	sld [smem:$0x3FA9]  }
0x39: {  	_ = 	snop;
	(pc) =	sbr.ind lr, $3  }
0x3a: {  	_ = 	snop  }
0x3b: {  	_ = 	snop  }
0x3c: {  	p2 =	seq.s32 s10, $0x1;
	s10 =	sld [smem:$0x3FA8]  }
0x3d: {  	_ =	shalt  }
0x3e: {  	_ =	shalt  }
0x3f: {  	_ =	shalt  }
0x40: {  	_ =	shalt  }
0x41: {  	_ =	shalt  }
0x42: {  	_ =	shalt  }
0x43: {  	_ =	shalt  }
0x44: {  	_ =	shalt  }
0x45: {  	_ =	shalt  }
0x46: {  	_ =	shalt  }
0x47: {  	_ =	shalt  }
0x48: {  	_ =	shalt  }
0x49: {  	_ =	shalt  }
0x4a: {  	_ =	shalt  }
0x4b: {  	_ =	shalt  }
0x4c: {  	_ =	shalt  }
0x4d: {  	_ =	shalt  }
0x4e: {  	_ =	shalt  }
0x4f: {  	_ =	shalt  }
0x50: {  	_ =	shalt  }
0x51: {  	_ =	shalt  }
0x52: {  	_ =	shalt  }
0x53: {  	_ =	shalt  }
0x54: {  	_ =	shalt  }
0x55: {  	_ =	shalt  }
0x56: {  	_ =	shalt  }
0x57: {  	_ =	shalt  }
0x58: {  	_ =	shalt  }
0x59: {  	_ =	shalt  }
0x5a: {  	_ =	shalt  }
0x5b: {  	_ =	shalt  }
0x5c: {  	_ =	shalt  }
0x5d: {  	_ =	shalt  }
0x5e: {  	_ =	shalt  }
0x5f: {  	_ =	shalt  }
0x60: {  	_ =	shalt  }
0x61: {  	_ =	shalt  }
0x62: {  	_ =	shalt  }
0x63: {  	_ =	shalt  }
0x64: {  	_ =	shalt  }
0x65: {  	_ =	shalt  }
0x66: {  	_ =	shalt  }
0x67: {  	_ =	shalt  }
0x68: {  	_ =	shalt  }
0x69: {  	_ =	shalt  }
0x6a: {  	_ =	shalt  }
0x6b: {  	_ =	shalt  }
0x6c: {  	_ =	shalt  }
0x6d: {  	_ =	shalt  }
0x6e: {  	_ =	shalt  }
0x6f: {  	_ =	shalt  }
0x70: {  	_ =	shalt  }
0x71: {  	_ =	shalt  }
0x72: {  	_ =	shalt  }
0x73: {  	_ =	shalt  }
0x74: {  	_ =	shalt  }
0x75: {  	_ =	shalt  }
0x76: {  	_ =	shalt  }
0x77: {  	_ =	shalt  }
0x78: {  	_ =	shalt  }
0x79: {  	_ =	shalt  }
0x7a: {  	_ =	shalt  }
0x7b: {  	_ =	shalt  }
0x7c: {  	_ =	shalt  }
0x7d: {  	_ =	shalt  }
0x7e: {  	_ =	shalt  }
0x7f: {  	_ =	shalt  }
0x80: {  	_ =	shalt  }
0x81: {  	_ =	shalt  }
0x82: {  	_ =	shalt  }
0x83: {  	_ =	shalt  }
0x84: {  	_ =	shalt  }
0x85: {  	_ =	shalt  }
0x86: {  	_ =	shalt  }
0x87: {  	_ =	shalt  }
.Lfunc_end0:
.L_simem_size_0:
called_computation_lowered:
.L_overlay_start_0:
0x88: {  	s2 =	sld [smem:$0x3FD9]  }
0x89: {  	s3 =	sld [smem:$0x3FFE];
	_ =	sdelay $0x1  }
0x8a: {  	s1 =	srdreg.scid  }
0x8b: {  	s0 =	sand.u32 $0x1, s1  }
0x8c: {  	s17 =	sshll.u32 s0, $0xA;
	s2 =	sadd.s32 s3, s2  }
0x8d: {  	s2 =	sadd.s32 s2, s17  }
0x8e: {  	[smem:$0x3FB4] =	sst s2  }
0x8f: {  	_ = 	snop  }
0x90: {  	s2 =	sld [smem:$0x3FB7]  }
0x91: {  	s18 =	sld [smem:$0x3FD0];
	(tm) =	ssettm $0x1  }
0x92: {  	s4 =	sld [smem:$0x3FFB];
	_ =	sdelay $0x3  }
0x93: {  	_ =	strace s4  }
0x94: {  	s4 =	sld [smem:$0x3FFC];
	_ =	sdelay $0x3  }
0x95: {  	_ =	strace s4  }
0x96: {  	s4 =	sld [smem:$0x3FFD];
	_ =	sdelay $0x3  }
0x97: {  	_ =	strace s4  }
0x98: {  	_ =	strace $0x8FFFFFFF  }
0x99: {  	s19 =	sld [smem:$0x3FDB];
	_ =	sdelay $0x1  }
0x9a: {  	s5 =	simm.s32 $_scs_section_size  }
0x9b: {  	s6 =	simm.s32 $_size__tile_overlayer_lowered;
	s7 =	simm.s32 $_tile_overlayer_lowered  }
0x9c: {  	s22 =	simm.s32 $0x1BFF;
	s21 =	sshll.u32 s7, $0x1;
	s4 =	sadd.s32 s5, s19  }
0x9d: {  	s8 =	simm.s32 $0x0;
	s20 =	sshll.u32 s6, $0x1;
	s6 =	sadd.s32 s21, s4  }
0x9e: {  	[timem:s8], [sflag:s22] =	dma.local [hbm:s6], s20  }
0x9f: {  	_ =	swait.ge [sflag:s22], s20  }
0xa0: {  	s5 =	ssub.s32 $0x0, s20;
	[sflag:s22] =	ssyncset.done $0x0  }
0xa1: {  	[sflag:s22] =	ssyncadd.s32 s5;
	_ =	sdelay $0x1  }
0xa2: {  	s23 =	simm.s32 $0x1B8B  }
0xa3: {  	_ =	swait.ge [sflag:s23], $0x1  }
0xa4: {  	[sflag:s23] =	ssyncset.done $0x0  }
0xa5: {  	s25 =	simm.s32 $0x1B8E;
	s24 =	sld [smem:$0x3FFE];
	[sflag:s23] =	ssyncadd.s32 $0xFFFFFFFF  }
0xa6: {  	s26 =	simm.s32 $execute0_lowered;
	[smem:$0x3FD2] =	sst s25  }
0xa7: {  	s6 =	sshll.u32 s26, $0x1;
	_ =	strace $0x80000046;
	[dreg:$0x1] =	wrdreg $0xFFFFFFFF  }
0xa8: {  	s28 =	simm.s32 $_size_execute0_lowered;
	s4 =	sadd.s32 s4, s6;
	[dreg:$0x0] =	wrdreg $0x0  }
0xa9: {  	s6 =	sshll.u32 s28, $0x1;
	[dreg:$0x2] =	wrdreg s4  }
0xaa: {  	[dreg:$0x3] =	wrdreg s6  }
0xab: {  	[dreg:$0x4] =	wrdreg $0xC0  }
0xac: {  	_ =	task [dreg:s8], $0x5FFFF  }
0xad: {  	[dreg:$0x1] =	wrdreg $0xFFFFFFFF  }
0xae: {  	[dreg:$0x0] =	wrdreg $0x60  }
0xaf: {  	[dreg:$0x2] =	wrdreg s2  }
0xb0: {  	[dreg:$0x3] =	wrdreg s24  }
0xb1: {  	[dreg:$0x4] =	wrdreg s18  }
0xb2: {  	[dreg:$0x5] =	wrdreg $0x9  }
0xb3: {  	_ =	task.clear_ibuf [dreg:s8], $0x6FFFF;
	_ =	strace $0x90000046  }
0xb4: {  	s29 =	simm.s32 $0x9;
	_ =	strace $0x80000048  }
0xb5: {  	_ =	swait.ge [sflag:s29], $0x1  }
0xb6: {  	[sflag:s29] =	ssyncadd.s32 $0xFFFFFFFF  }
0xb7: {  	_ =	strace $0x90000048  }
0xb8: {  	_ =	sfence  }
0xb9: {  	s30 =	sld [smem:$0x0];
	_ =	sdelay $0x2  }
0xba: {  	s31 =	sshll.u32 s1, $0xD;
	s1 =	sshrl.u32 s1, $0x2  }
0xbb: {  	s3 =	sand.u32 $0x4000, s31;
	s1 =	sadd.s32 s1, s30  }
0xbc: {  	s0 =	sor.u32 s3, s0;
	s1 =	sshll.u32 s1, $0x11  }
0xbd: {  	s0 =	sor.u32 s1, s0  }
0xbe: {  	s0 =	sadd.s32 $0x8F2B, s0  }
0xbf: {  	[sflag:s0] =	ssyncadd.remote.s32 $0x1  }
0xc0: {  	_ =	sfence.sel $0xFFFF  }
0xc1: {  	[dreg:$0x0] =	wrdreg $0xFFFFFFFF;
	(pc) =	sbr.abs _section_cstart, $3  }
0xc2: {  	[dreg:$0x1] =	wrdreg $0xFFFFFFFF  }
0xc3: {  	_ =	task.clear_ibuf [dreg:s8], $0x2FFFF;
	_ =	strace $0x9FFFFFFF  }
0xc4: {  	(tm) =	ssettm $0x7FFFFFFF  }
0xc5: {  	_ =	shalt  }
tec
execute0_lowered:
.L_overlay_start_1:
0x0: {  	(tag) =	ssettag $0x1  }
0x1: {  	s2 =	srdreg.scid  }
0x2: {  	s1 =	rddreg [dreg:$0x0];
	s0 =	stileid.u32;
	s6 =	sand.u32 $0x1, s2  }
0x3: {  	s4 =	rddreg [dreg:$0x1];
	s30 =	sshll.u32 s0, $0x4;
	s3 =	sshll.u32 s6, $0x3  }
0x4: {  	s10 =	rddreg [dreg:$0x2];
	s11 =	sor.u32 s3, s30  }
0x5: {  	s2 =	rddreg [dreg:$0x3];
	s3 =	simm.s32 $0x0;
	s5 =	sshrl.u32 s11, $0x3  }
0x6: {  	[smem:$0x7FF] =	sst s3;
	s4 =	sadd.s32 s5, s4  }
0x7: {  	_ =	strace $0x80000047;
	s5 =	sadd.s32 $0x2200, s4;
	s4 =	simm.s32 $0x2  }
0x8: {  	[tilespmem:s3], [sflag:$0x2] =	stream.linear.gather [hbm4b:s5+s3], $0x8, $0x38;
	[tilespmem:$0x1080] =	vst v63  }
0x9: {  	_ =	swait.ge [sflag:s4], $0x8  }
0xa: {  	[sflag:s4] =	ssyncset.done $0x0  }
0xb: {  	[sflag:s4] =	ssyncadd.s32 $0xFFFFFFF8  }
0xc: {  	v0 =	vld.msk [tilespmem:$0x0], $0xff;
	_ =	sdelay $0x4  }
0xd: {  	v1 =	vshll.u32 v0, $0x2  }
0xe: {  	v2 =	vlaneseq.u32;
	v3 =	vand.u32 $0x7, v0;
	v1 =	vand.u32 $0xFFFFFFE0, v1  }
0xf: {  	v0 =	vand.u32 $0x7, v2;
	v2 =	vshrl.u32 v2, $0x3;
	v3 =	vor.u32 v3, v1  }
0x10: {  	v1 =	vmul.u32 $0x8, v2;
	v2 =	vperm.xlane v3, v0;
	_ =	sdelay $0x1  }
0x11: {  	v2 =	vadd.s32 v1, v2;
	_ =	sdelay $0x1  }
0x12: {  	s12 =	ssub.s32 $0x2, s6  }
0x13: {  	s13 =	sshrl.u32 s12, $0x1  }
0x14: {  	vm0 =	vmmov $0xffff;
	s8 =	simm.s32 $0x880;
	s6 =	simm.s32 $0x80;
	s12 =	ssub.s32 s12, s13  }
0x15: {  	[tilespmem:s6], [sflag:$0x1] =	stream.indirect_vreg.gather [hbm4b:s1+s3], $0x80, v2, vm0, $0xb8;
	[tilespmem:$0x1080] =	vst v63  }
0x16: {  	s9 =	simm.s32 $0x1;
	s7 =	sadd.s32 $0x100, s1;
	s31 =	smax.u32 s12, $0x1  }
0x17: {  	[tilespmem:s8], [sflag:$0x1] =	stream.indirect_vreg.gather [hbm4b:s7+s3], $0x80, v2, vm0, $0xb8;
	[tilespmem:$0x1080] =	vst v63  }
0x18: {  	p0 =	sne.s32 s31, $0x1;
	_ =	swait.ge [sflag:s9], $0x1000  }
.Ltmp0:
0x19: {  	s11 =	sshll.u32 s11, $0x6;
	[sflag:s9] =	ssyncset.done $0x0;
	(pc) =	sbr.rel @!p0 .LBB2_2-.Ltmp0, $4  }
0x1a: {  	s10 =	sadd.s32 s10, s11;
	[sflag:s9] =	ssyncadd.s32 $0xFFFFF000  }
0x1b: {  	[hbm4b:s10+s3] =	stream.linear.scatter [tilespmem:s6], [sflag:$0x2], $0x1000, $0x38;
	[tilespmem:$0x1080] =	vst v63  }
0x1c: {  	_ =	swait.ge [sflag:s4], $0x1000  }
0x1d: {  	s11 =	sadd.s32 $0xFFFFFFFF, s31;
	[sflag:s4] =	ssyncset.done $0x0  }
.LBB2_1:
0x1e: {  	p0 =	sne.s32 s11, $0x1;
	s11 =	sadd.s32 $0xFFFFFFFF, s11;
	[sflag:s4] =	ssyncadd.s32 $0xFFFFF000  }
0x1f: {  	[tilespmem:s3], [sflag:$0x2] =	stream.linear.gather [hbm4b:s5+s3], $0x8, $0x38;
	[tilespmem:$0x1080] =	vst v63  }
0x20: {  	_ =	swait.ge [sflag:s4], $0x8  }
0x21: {  	[sflag:s4] =	ssyncset.done $0x0  }
0x22: {  	[sflag:s4] =	ssyncadd.s32 $0xFFFFFFF8  }
0x23: {  	v2 =	vld.msk [tilespmem:$0x0], $0xff;
	_ =	sdelay $0x4  }
0x24: {  	v3 =	vshll.u32 v2, $0x2  }
0x25: {  	v2 =	vand.u32 $0x7, v2;
	v3 =	vand.u32 $0xFFFFFFE0, v3  }
0x26: {  	v2 =	vor.u32 v2, v3  }
0x27: {  	v2 =	vperm.xlane v2, v0;
	_ =	sdelay $0x1  }
0x28: {  	v2 =	vadd.s32 v1, v2;
	_ =	sdelay $0x4  }
0x29: {  	[tilespmem:s6], [sflag:$0x1] =	stream.indirect_vreg.gather [hbm4b:s1+s3], $0x80, v2, vm0, $0xb8;
	[tilespmem:$0x1080] =	vst v63  }
0x2a: {  	_ = 	snop  }
0x2b: {  	[tilespmem:s8], [sflag:$0x1] =	stream.indirect_vreg.gather [hbm4b:s7+s3], $0x80, v2, vm0, $0xb8;
	[tilespmem:$0x1080] =	vst v63  }
0x2c: {  	_ =	swait.ge [sflag:s9], $0x1000  }
.Ltmp1:
0x2d: {  	[sflag:s9] =	ssyncset.done $0x0;
	(pc) =	sbr.rel @p0 .LBB2_1-.Ltmp1, $4  }
0x2e: {  	[sflag:s9] =	ssyncadd.s32 $0xFFFFF000  }
0x2f: {  	[hbm4b:s10+s3] =	stream.linear.scatter [tilespmem:s6], [sflag:$0x2], $0x1000, $0x38;
	[tilespmem:$0x1080] =	vst v63  }
0x30: {  	_ =	swait.ge [sflag:s4], $0x1000  }
0x31: {  	[sflag:s4] =	ssyncset.done $0x0  }
.LBB2_2:
0x32: {  	[sflag:s4] =	ssyncadd.s32 $0xFFFFF000  }
0x33: {  	_ =	sfence.sel $0x180000  }
0x34: {  	[bflag:$0x0] =	sbarrier.arrive $0xFFFF  }
0x35: {  	p0 =	sne.s32 s0, $0x0;
	_ =	strace $0x90000047  }
0x36: {  	s0 =	sadd.s32 @!p0 $0x100000, s2;
	[bflag:$0x2] =	sbarrier.arrive $0xFFFF  }
0x37: {  	[sflag:s0] =	ssyncadd.tile.s32 @!p0 $0x1;
	_ =	shalt  }
.Lfunc_end2:
_tile_overlayer_lowered:
.L_overlay_start_2:
0x38: {  	(tag) =	ssettag $0x2  }
0x39: {  	s0 =	rddreg [dreg:$0x0];
	s2 =	stileid.u32  }
0x3a: {  	s1 =	rddreg [dreg:$0x1];
	p0 =	sne.s32 s2, $0x0  }
0x3b: {  	s3 =	rddreg [dreg:$0x2];
	[bflag:$0x3] =	sbarrier.arrive $0xFFFF;
	s2 =	simm.s32 @!p0 $0x1C02  }
0x3c: {  	[timem:s3], [sflag:s2] =	dma.local @!p0 [hbm:s0], s1  }
0x3d: {  	s0 =	simm.s32 @!p0 $0x2  }
0x3e: {  	_ =	swait.ge @!p0 [sflag:s0], s1  }
0x3f: {  	s1 =	ssub.s32 @!p0 $0x0, s1;
	[sflag:s0] =	ssyncset.done @!p0 $0x0  }
0x40: {  	[sflag:s0] =	ssyncadd.s32 @!p0 s1  }
0x41: {  	[bflag:$0x3] =	sbarrier.arrive $0xFFFF  }
0x42: {  	_ =	shalt  }

</sc_bundles>
